<compile_context>
chip_gen: v7x
topology: tpu7x:2x2x1
jax: 0.10.2.dev20260603
libtpu: 0.0.44.dev20260713+nightly
codegen_flags: <defaults>
</compile_context>

<pallas_src>
import functools

import jax
import jax.numpy as jnp
from jax import lax
from jax.experimental import pallas as pl
from jax.experimental.pallas import tpu as pltpu
from jax.experimental.pallas import tpu_sc as plsc

NC = 2
NS = 16
LANES = 16
NW = NC * NS

IDX_CHUNK = 128


def _gmf_body(users_ref, items_ref, utab_ref, itab_ref, wb_ref, out_ref,
              idx_u, idx_i, rows_u, rows_i, wb_v, out_v, sem):
    bpw = rows_u.shape[0]
    n_chunks = bpw // IDX_CHUNK
    f = rows_u.shape[1]
    half = f // 2

    wid = lax.axis_index("s") * NC + lax.axis_index("c")
    base = wid * bpw

    pltpu.sync_copy(users_ref.at[wid], idx_u)
    pltpu.sync_copy(items_ref.at[wid], idx_i)
    pltpu.sync_copy(wb_ref, wb_v)

    copies = []
    for k in range(n_chunks):
        dst = rows_u.at[pl.ds(k * IDX_CHUNK, IDX_CHUNK)]
        copies.append(pltpu.async_copy(utab_ref.at[idx_u.at[k]], dst, sem))
    for k in range(n_chunks):
        dst = rows_i.at[pl.ds(k * IDX_CHUNK, IDX_CHUNK)]
        copies.append(pltpu.async_copy(itab_ref.at[idx_i.at[k]], dst, sem))
    for c in copies:
        c.wait()

    w0 = wb_v[pl.ds(0, LANES)]
    w1 = wb_v[pl.ds(half, LANES)]
    bias = wb_v[pl.ds(f, LANES)]
    iota16 = lax.iota(jnp.int32, LANES)

    def group(g, _):
        r0 = g * LANES
        z = bias
        for j in range(LANES):
            r = r0 + j
            u0 = rows_u[r, pl.ds(0, LANES)]
            u1 = rows_u[r, pl.ds(half, LANES)]
            v0 = rows_i[r, pl.ds(0, LANES)]
            v1 = rows_i[r, pl.ds(half, LANES)]
            s = jnp.sum(u0 * v0 * w0 + u1 * v1 * w1)
            z = jnp.where(iota16 == j, z + s, z)
        out_v[pl.ds(r0, LANES)] = 1.0 / (1.0 + jnp.exp(-z))
        return _

    lax.fori_loop(0, bpw // LANES, group, None)

    pltpu.sync_copy(out_v, out_ref.at[pl.ds(base, bpw)])


def kernel(users, items, user_table, item_table, pred_w, pred_b):
    b = users.shape[0]
    f = user_table.shape[1]
    assert b % (NW * IDX_CHUNK) == 0 and f == 2 * LANES
    bpw = b // NW

    users_r = users.astype(jnp.int32).reshape(NW, bpw // IDX_CHUNK, IDX_CHUNK)
    items_r = items.astype(jnp.int32).reshape(NW, bpw // IDX_CHUNK, IDX_CHUNK)
    wb = jnp.concatenate(
        [pred_w.reshape(-1), jnp.broadcast_to(pred_b.reshape(-1)[:1], (LANES,))]
    ).astype(jnp.float32)

    mesh = plsc.VectorSubcoreMesh(core_axis_name="c", subcore_axis_name="s")
    run = functools.partial(
        pl.kernel,
        out_type=jax.ShapeDtypeStruct((b,), jnp.float32),
        mesh=mesh,
        compiler_params=pltpu.CompilerParams(
            needs_layout_passes=False, use_tc_tiling_on_sc=False
        ),
        scratch_types=[
            pltpu.VMEM((bpw // IDX_CHUNK, IDX_CHUNK), jnp.int32),
            pltpu.VMEM((bpw // IDX_CHUNK, IDX_CHUNK), jnp.int32),
            pltpu.VMEM((bpw, f), jnp.float32),
            pltpu.VMEM((bpw, f), jnp.float32),
            pltpu.VMEM((f + LANES,), jnp.float32),
            pltpu.VMEM((bpw,), jnp.float32),
            pltpu.SemaphoreType.DMA,
        ],
    )(_gmf_body)
    return run(users_r, items_r, user_table, item_table, wb)

# --- scband reference (transcript-rebuilt; emitter-appended) ---
"""Pipeline reference for scband-gmf-31645319037252 (READ-ONLY COPY).

The authoritative reference and input builder live on the scoring server;
editing this copy changes nothing except your own understanding.
"""

import jax, jax.numpy as jnp
import numpy as np

N_USERS = 1000000
N_ITEMS = 1000000
N_FACTORS = 32
BATCH = 16384


def setup_inputs(seed: int = 0) -> dict:
    key = jax.random.key(seed)
    k1, k2, k3, k4, k5, k6 = jax.random.split(key, 6)
    users = jax.random.randint(k1, (BATCH,), 0, N_USERS, dtype=jnp.int64 if jax.config.jax_enable_x64 else jnp.int32)
    items = jax.random.randint(k2, (BATCH,), 0, N_ITEMS, dtype=jnp.int64 if jax.config.jax_enable_x64 else jnp.int32)
    user_table = jax.random.normal(k3, (N_USERS, N_FACTORS), dtype=jnp.float32) * 0.01
    item_table = jax.random.normal(k4, (N_ITEMS, N_FACTORS), dtype=jnp.float32) * 0.01
    pred_w = jax.random.normal(k5, (1, N_FACTORS), dtype=jnp.float32) * 0.01
    pred_b = jnp.zeros((1,), dtype=jnp.float32)
    return {"users": users, "items": items, "user_table": user_table,
            "item_table": item_table, "pred_w": pred_w, "pred_b": pred_b}


def reference(users, items, user_table, item_table, pred_w, pred_b):
    # embedding lookups (gather)
    user_embedded = jnp.take(user_table, users, axis=0)   # [B, F]
    item_embedded = jnp.take(item_table, items, axis=0)   # [B, F]
    out_gmf = user_embedded * item_embedded                # elementwise mul
    pred = out_gmf @ pred_w.T + pred_b                     # Linear(F, 1)
    sigmoid_gmf = jax.nn.sigmoid(pred)
    return sigmoid_gmf.reshape(-1)

if __name__ == "__main__":
    import jax
    _d = setup_inputs()
    print(jax.jit(kernel)(*tuple(_d.values())))

</pallas_src>

<mosaic_0001>
#map = affine_map<(d0, d1) -> (0, 0, 0)>
#map1 = affine_map<(d0, d1) -> (0, 0)>
#map2 = affine_map<(d0, d1) -> (0)>
module attributes {stable_mosaic.version = 14 : i64} {
  func.func @_gmf_body(%arg0: i32, %arg1: i32, %arg2: memref<32x4x128xi32, #tpu.memory_space<hbm>>, %arg3: memref<32x4x128xi32, #tpu.memory_space<hbm>>, %arg4: memref<1000000x32xf32, #tpu.memory_space<hbm>>, %arg5: memref<1000000x32xf32, #tpu.memory_space<hbm>>, %arg6: memref<48xf32, #tpu.memory_space<hbm>>, %arg7: memref<16384xf32, #tpu.memory_space<hbm>>, %arg8: memref<4x128xi32, #tpu.memory_space<vmem>>, %arg9: memref<4x128xi32, #tpu.memory_space<vmem>>, %arg10: memref<512x32xf32, #tpu.memory_space<vmem>>, %arg11: memref<512x32xf32, #tpu.memory_space<vmem>>, %arg12: memref<48xf32, #tpu.memory_space<vmem>>, %arg13: memref<512xf32, #tpu.memory_space<vmem>>, %arg14: memref<!tpu.dma_semaphore, #tpu.memory_space<semaphore_mem>>) attributes {dimension_semantics = [#tpu.dimension_semantics<core_parallel>, #tpu.dimension_semantics<subcore_parallel>], iteration_bounds = array<i64: 2, 16>, scalar_prefetch = 0 : i64, scratch_operands = 7 : i64, tpu.core_type = #tpu.core_type<sc_vector_subcore>, window_params = [{transform_indices = #map}, {transform_indices = #map}, {transform_indices = #map1}, {transform_indices = #map1}, {transform_indices = #map2}, {transform_indices = #map2}]} {
    %mul3A = arith.constant 2 : i32
    %mul3A_0 = arith.muli %arg1, %mul3A : i32
    %add3A = arith.addi %mul3A_0, %arg0 : i32
    %mul3A_1 = arith.constant 512 : i32
    %mul3A_2 = arith.muli %add3A, %mul3A_1 : i32
    "tpu.region"() ({
      %run_scoped3A = tpu.sem_alloc : memref<!tpu.dma_semaphore, #tpu.memory_space<semaphore_mem>>
      %dma_start3A_170 = arith.constant 0 : i32
      %dma_start3A_171 = arith.constant 0 : i32
      %dma_start3A_172 = tpu.memref_slice %arg2[%add3A, %dma_start3A_170, %dma_start3A_171] : memref<32x4x128xi32, #tpu.memory_space<hbm>> -> memref<1x4x128xi32, #tpu.memory_space<hbm>>
      %dma_start3A_173 = tpu.memref_squeeze %dma_start3A_172 : memref<1x4x128xi32, #tpu.memory_space<hbm>> -> memref<4x128xi32, #tpu.memory_space<hbm>>
      %dma_start3A_174 = arith.constant 0 : i32
      %dma_start3A_175 = arith.constant 0 : i32
      %dma_start3A_176 = tpu.memref_slice %arg2[%add3A, %dma_start3A_174, %dma_start3A_175] : memref<32x4x128xi32, #tpu.memory_space<hbm>> -> memref<1x4x128xi32, #tpu.memory_space<hbm>>
      %dma_start3A_177 = tpu.memref_squeeze %dma_start3A_176 : memref<1x4x128xi32, #tpu.memory_space<hbm>> -> memref<4x128xi32, #tpu.memory_space<hbm>>
      tpu.enqueue_dma source(%dma_start3A_177 : memref<4x128xi32, #tpu.memory_space<hbm>>) target(%arg8 : memref<4x128xi32, #tpu.memory_space<vmem>>) target_semaphore(%run_scoped3A : memref<!tpu.dma_semaphore, #tpu.memory_space<semaphore_mem>>)
      %dma_wait3A_178 = arith.constant 0 : i32
      %dma_wait3A_179 = arith.constant 0 : i32
      %dma_wait3A_180 = tpu.memref_slice %arg2[%add3A, %dma_wait3A_178, %dma_wait3A_179] : memref<32x4x128xi32, #tpu.memory_space<hbm>> -> memref<1x4x128xi32, #tpu.memory_space<hbm>>
      %dma_wait3A_181 = tpu.memref_squeeze %dma_wait3A_180 : memref<1x4x128xi32, #tpu.memory_space<hbm>> -> memref<4x128xi32, #tpu.memory_space<hbm>>
      %dma_wait3A_182 = arith.constant 0 : i32
      %dma_wait3A_183 = arith.constant 0 : i32
      %dma_wait3A_184 = tpu.memref_slice %arg2[%add3A, %dma_wait3A_182, %dma_wait3A_183] : memref<32x4x128xi32, #tpu.memory_space<hbm>> -> memref<1x4x128xi32, #tpu.memory_space<hbm>>
      %dma_wait3A_185 = tpu.memref_squeeze %dma_wait3A_184 : memref<1x4x128xi32, #tpu.memory_space<hbm>> -> memref<4x128xi32, #tpu.memory_space<hbm>>
      tpu.wait_dma2 semaphore(%run_scoped3A : memref<!tpu.dma_semaphore, #tpu.memory_space<semaphore_mem>>) src(%dma_wait3A_185 : memref<4x128xi32, #tpu.memory_space<hbm>>) dst(%arg8 : memref<4x128xi32, #tpu.memory_space<vmem>>)
      tpu.yield
    }) : () -> ()
    "tpu.region"() ({
      %run_scoped3A = tpu.sem_alloc : memref<!tpu.dma_semaphore, #tpu.memory_space<semaphore_mem>>
      %dma_start3A_170 = arith.constant 0 : i32
      %dma_start3A_171 = arith.constant 0 : i32
      %dma_start3A_172 = tpu.memref_slice %arg3[%add3A, %dma_start3A_170, %dma_start3A_171] : memref<32x4x128xi32, #tpu.memory_space<hbm>> -> memref<1x4x128xi32, #tpu.memory_space<hbm>>
      %dma_start3A_173 = tpu.memref_squeeze %dma_start3A_172 : memref<1x4x128xi32, #tpu.memory_space<hbm>> -> memref<4x128xi32, #tpu.memory_space<hbm>>
      %dma_start3A_174 = arith.constant 0 : i32
      %dma_start3A_175 = arith.constant 0 : i32
      %dma_start3A_176 = tpu.memref_slice %arg3[%add3A, %dma_start3A_174, %dma_start3A_175] : memref<32x4x128xi32, #tpu.memory_space<hbm>> -> memref<1x4x128xi32, #tpu.memory_space<hbm>>
      %dma_start3A_177 = tpu.memref_squeeze %dma_start3A_176 : memref<1x4x128xi32, #tpu.memory_space<hbm>> -> memref<4x128xi32, #tpu.memory_space<hbm>>
      tpu.enqueue_dma source(%dma_start3A_177 : memref<4x128xi32, #tpu.memory_space<hbm>>) target(%arg9 : memref<4x128xi32, #tpu.memory_space<vmem>>) target_semaphore(%run_scoped3A : memref<!tpu.dma_semaphore, #tpu.memory_space<semaphore_mem>>)
      %dma_wait3A_178 = arith.constant 0 : i32
      %dma_wait3A_179 = arith.constant 0 : i32
      %dma_wait3A_180 = tpu.memref_slice %arg3[%add3A, %dma_wait3A_178, %dma_wait3A_179] : memref<32x4x128xi32, #tpu.memory_space<hbm>> -> memref<1x4x128xi32, #tpu.memory_space<hbm>>
      %dma_wait3A_181 = tpu.memref_squeeze %dma_wait3A_180 : memref<1x4x128xi32, #tpu.memory_space<hbm>> -> memref<4x128xi32, #tpu.memory_space<hbm>>
      %dma_wait3A_182 = arith.constant 0 : i32
      %dma_wait3A_183 = arith.constant 0 : i32
      %dma_wait3A_184 = tpu.memref_slice %arg3[%add3A, %dma_wait3A_182, %dma_wait3A_183] : memref<32x4x128xi32, #tpu.memory_space<hbm>> -> memref<1x4x128xi32, #tpu.memory_space<hbm>>
      %dma_wait3A_185 = tpu.memref_squeeze %dma_wait3A_184 : memref<1x4x128xi32, #tpu.memory_space<hbm>> -> memref<4x128xi32, #tpu.memory_space<hbm>>
      tpu.wait_dma2 semaphore(%run_scoped3A : memref<!tpu.dma_semaphore, #tpu.memory_space<semaphore_mem>>) src(%dma_wait3A_185 : memref<4x128xi32, #tpu.memory_space<hbm>>) dst(%arg9 : memref<4x128xi32, #tpu.memory_space<vmem>>)
      tpu.yield
    }) : () -> ()
    "tpu.region"() ({
      %run_scoped3A = tpu.sem_alloc : memref<!tpu.dma_semaphore, #tpu.memory_space<semaphore_mem>>
      tpu.enqueue_dma source(%arg6 : memref<48xf32, #tpu.memory_space<hbm>>) target(%arg12 : memref<48xf32, #tpu.memory_space<vmem>>) target_semaphore(%run_scoped3A : memref<!tpu.dma_semaphore, #tpu.memory_space<semaphore_mem>>)
      tpu.wait_dma2 semaphore(%run_scoped3A : memref<!tpu.dma_semaphore, #tpu.memory_space<semaphore_mem>>) src(%arg6 : memref<48xf32, #tpu.memory_space<hbm>>) dst(%arg12 : memref<48xf32, #tpu.memory_space<vmem>>)
      tpu.yield
    }) : () -> ()
    %dma_start3A = arith.constant 0 : i32
    %dma_start3A_3 = arith.constant 0 : i32
    %dma_start3A_4 = arith.constant 0 : i32
    %dma_start3A_5 = tpu.memref_slice %arg10[%dma_start3A_3, %dma_start3A_4] : memref<512x32xf32, #tpu.memory_space<vmem>> -> memref<128x32xf32, #tpu.memory_space<vmem>>
    %dma_start3A_6 = arith.constant 0 : i32
    %dma_start3A_7 = tpu.memref_slice %arg8[%dma_start3A, %dma_start3A_6] : memref<4x128xi32, #tpu.memory_space<vmem>> -> memref<1x128xi32, #tpu.memory_space<vmem>>
    %dma_start3A_8 = tpu.memref_squeeze %dma_start3A_7 : memref<1x128xi32, #tpu.memory_space<vmem>> -> memref<128xi32, #tpu.memory_space<vmem>>
    %dma_start3A_9 = arith.constant 0 : i32
    %dma_start3A_10 = arith.constant 0 : i32
    %dma_start3A_11 = tpu.memref_slice %arg4[%dma_start3A_9, %dma_start3A_10] : memref<1000000x32xf32, #tpu.memory_space<hbm>> -> memref<1000000x32xf32, #tpu.memory_space<hbm>>
    tpu.enqueue_indirect_dma source(%dma_start3A_11 : memref<1000000x32xf32, #tpu.memory_space<hbm>>) target(%dma_start3A_5 : memref<128x32xf32, #tpu.memory_space<vmem>>) offsets(%dma_start3A_8 : memref<128xi32, #tpu.memory_space<vmem>>) semaphore(%arg14 : memref<!tpu.dma_semaphore, #tpu.memory_space<semaphore_mem>>)
    %dma_start3A_12 = arith.constant 1 : i32
    %dma_start3A_13 = arith.constant 128 : i32
    %dma_start3A_14 = arith.constant 0 : i32
    %dma_start3A_15 = tpu.memref_slice %arg10[%dma_start3A_13, %dma_start3A_14] : memref<512x32xf32, #tpu.memory_space<vmem>> -> memref<128x32xf32, #tpu.memory_space<vmem>>
    %dma_start3A_16 = arith.constant 0 : i32
    %dma_start3A_17 = tpu.memref_slice %arg8[%dma_start3A_12, %dma_start3A_16] : memref<4x128xi32, #tpu.memory_space<vmem>> -> memref<1x128xi32, #tpu.memory_space<vmem>>
    %dma_start3A_18 = tpu.memref_squeeze %dma_start3A_17 : memref<1x128xi32, #tpu.memory_space<vmem>> -> memref<128xi32, #tpu.memory_space<vmem>>
    %dma_start3A_19 = arith.constant 0 : i32
    %dma_start3A_20 = arith.constant 0 : i32
    %dma_start3A_21 = tpu.memref_slice %arg4[%dma_start3A_19, %dma_start3A_20] : memref<1000000x32xf32, #tpu.memory_space<hbm>> -> memref<1000000x32xf32, #tpu.memory_space<hbm>>
    tpu.enqueue_indirect_dma source(%dma_start3A_21 : memref<1000000x32xf32, #tpu.memory_space<hbm>>) target(%dma_start3A_15 : memref<128x32xf32, #tpu.memory_space<vmem>>) offsets(%dma_start3A_18 : memref<128xi32, #tpu.memory_space<vmem>>) semaphore(%arg14 : memref<!tpu.dma_semaphore, #tpu.memory_space<semaphore_mem>>)
    %dma_start3A_22 = arith.constant 2 : i32
    %dma_start3A_23 = arith.constant 256 : i32
    %dma_start3A_24 = arith.constant 0 : i32
    %dma_start3A_25 = tpu.memref_slice %arg10[%dma_start3A_23, %dma_start3A_24] : memref<512x32xf32, #tpu.memory_space<vmem>> -> memref<128x32xf32, #tpu.memory_space<vmem>>
    %dma_start3A_26 = arith.constant 0 : i32
    %dma_start3A_27 = tpu.memref_slice %arg8[%dma_start3A_22, %dma_start3A_26] : memref<4x128xi32, #tpu.memory_space<vmem>> -> memref<1x128xi32, #tpu.memory_space<vmem>>
    %dma_start3A_28 = tpu.memref_squeeze %dma_start3A_27 : memref<1x128xi32, #tpu.memory_space<vmem>> -> memref<128xi32, #tpu.memory_space<vmem>>
    %dma_start3A_29 = arith.constant 0 : i32
    %dma_start3A_30 = arith.constant 0 : i32
    %dma_start3A_31 = tpu.memref_slice %arg4[%dma_start3A_29, %dma_start3A_30] : memref<1000000x32xf32, #tpu.memory_space<hbm>> -> memref<1000000x32xf32, #tpu.memory_space<hbm>>
    tpu.enqueue_indirect_dma source(%dma_start3A_31 : memref<1000000x32xf32, #tpu.memory_space<hbm>>) target(%dma_start3A_25 : memref<128x32xf32, #tpu.memory_space<vmem>>) offsets(%dma_start3A_28 : memref<128xi32, #tpu.memory_space<vmem>>) semaphore(%arg14 : memref<!tpu.dma_semaphore, #tpu.memory_space<semaphore_mem>>)
    %dma_start3A_32 = arith.constant 3 : i32
    %dma_start3A_33 = arith.constant 384 : i32
    %dma_start3A_34 = arith.constant 0 : i32
    %dma_start3A_35 = tpu.memref_slice %arg10[%dma_start3A_33, %dma_start3A_34] : memref<512x32xf32, #tpu.memory_space<vmem>> -> memref<128x32xf32, #tpu.memory_space<vmem>>
    %dma_start3A_36 = arith.constant 0 : i32
    %dma_start3A_37 = tpu.memref_slice %arg8[%dma_start3A_32, %dma_start3A_36] : memref<4x128xi32, #tpu.memory_space<vmem>> -> memref<1x128xi32, #tpu.memory_space<vmem>>
    %dma_start3A_38 = tpu.memref_squeeze %dma_start3A_37 : memref<1x128xi32, #tpu.memory_space<vmem>> -> memref<128xi32, #tpu.memory_space<vmem>>
    %dma_start3A_39 = arith.constant 0 : i32
    %dma_start3A_40 = arith.constant 0 : i32
    %dma_start3A_41 = tpu.memref_slice %arg4[%dma_start3A_39, %dma_start3A_40] : memref<1000000x32xf32, #tpu.memory_space<hbm>> -> memref<1000000x32xf32, #tpu.memory_space<hbm>>
    tpu.enqueue_indirect_dma source(%dma_start3A_41 : memref<1000000x32xf32, #tpu.memory_space<hbm>>) target(%dma_start3A_35 : memref<128x32xf32, #tpu.memory_space<vmem>>) offsets(%dma_start3A_38 : memref<128xi32, #tpu.memory_space<vmem>>) semaphore(%arg14 : memref<!tpu.dma_semaphore, #tpu.memory_space<semaphore_mem>>)
    %dma_start3A_42 = arith.constant 0 : i32
    %dma_start3A_43 = arith.constant 0 : i32
    %dma_start3A_44 = arith.constant 0 : i32
    %dma_start3A_45 = tpu.memref_slice %arg11[%dma_start3A_43, %dma_start3A_44] : memref<512x32xf32, #tpu.memory_space<vmem>> -> memref<128x32xf32, #tpu.memory_space<vmem>>
    %dma_start3A_46 = arith.constant 0 : i32
    %dma_start3A_47 = tpu.memref_slice %arg9[%dma_start3A_42, %dma_start3A_46] : memref<4x128xi32, #tpu.memory_space<vmem>> -> memref<1x128xi32, #tpu.memory_space<vmem>>
    %dma_start3A_48 = tpu.memref_squeeze %dma_start3A_47 : memref<1x128xi32, #tpu.memory_space<vmem>> -> memref<128xi32, #tpu.memory_space<vmem>>
    %dma_start3A_49 = arith.constant 0 : i32
    %dma_start3A_50 = arith.constant 0 : i32
    %dma_start3A_51 = tpu.memref_slice %arg5[%dma_start3A_49, %dma_start3A_50] : memref<1000000x32xf32, #tpu.memory_space<hbm>> -> memref<1000000x32xf32, #tpu.memory_space<hbm>>
    tpu.enqueue_indirect_dma source(%dma_start3A_51 : memref<1000000x32xf32, #tpu.memory_space<hbm>>) target(%dma_start3A_45 : memref<128x32xf32, #tpu.memory_space<vmem>>) offsets(%dma_start3A_48 : memref<128xi32, #tpu.memory_space<vmem>>) semaphore(%arg14 : memref<!tpu.dma_semaphore, #tpu.memory_space<semaphore_mem>>)
    %dma_start3A_52 = arith.constant 1 : i32
    %dma_start3A_53 = arith.constant 128 : i32
    %dma_start3A_54 = arith.constant 0 : i32
    %dma_start3A_55 = tpu.memref_slice %arg11[%dma_start3A_53, %dma_start3A_54] : memref<512x32xf32, #tpu.memory_space<vmem>> -> memref<128x32xf32, #tpu.memory_space<vmem>>
    %dma_start3A_56 = arith.constant 0 : i32
    %dma_start3A_57 = tpu.memref_slice %arg9[%dma_start3A_52, %dma_start3A_56] : memref<4x128xi32, #tpu.memory_space<vmem>> -> memref<1x128xi32, #tpu.memory_space<vmem>>
    %dma_start3A_58 = tpu.memref_squeeze %dma_start3A_57 : memref<1x128xi32, #tpu.memory_space<vmem>> -> memref<128xi32, #tpu.memory_space<vmem>>
    %dma_start3A_59 = arith.constant 0 : i32
    %dma_start3A_60 = arith.constant 0 : i32
    %dma_start3A_61 = tpu.memref_slice %arg5[%dma_start3A_59, %dma_start3A_60] : memref<1000000x32xf32, #tpu.memory_space<hbm>> -> memref<1000000x32xf32, #tpu.memory_space<hbm>>
    tpu.enqueue_indirect_dma source(%dma_start3A_61 : memref<1000000x32xf32, #tpu.memory_space<hbm>>) target(%dma_start3A_55 : memref<128x32xf32, #tpu.memory_space<vmem>>) offsets(%dma_start3A_58 : memref<128xi32, #tpu.memory_space<vmem>>) semaphore(%arg14 : memref<!tpu.dma_semaphore, #tpu.memory_space<semaphore_mem>>)
    %dma_start3A_62 = arith.constant 2 : i32
    %dma_start3A_63 = arith.constant 256 : i32
    %dma_start3A_64 = arith.constant 0 : i32
    %dma_start3A_65 = tpu.memref_slice %arg11[%dma_start3A_63, %dma_start3A_64] : memref<512x32xf32, #tpu.memory_space<vmem>> -> memref<128x32xf32, #tpu.memory_space<vmem>>
    %dma_start3A_66 = arith.constant 0 : i32
    %dma_start3A_67 = tpu.memref_slice %arg9[%dma_start3A_62, %dma_start3A_66] : memref<4x128xi32, #tpu.memory_space<vmem>> -> memref<1x128xi32, #tpu.memory_space<vmem>>
    %dma_start3A_68 = tpu.memref_squeeze %dma_start3A_67 : memref<1x128xi32, #tpu.memory_space<vmem>> -> memref<128xi32, #tpu.memory_space<vmem>>
    %dma_start3A_69 = arith.constant 0 : i32
    %dma_start3A_70 = arith.constant 0 : i32
    %dma_start3A_71 = tpu.memref_slice %arg5[%dma_start3A_69, %dma_start3A_70] : memref<1000000x32xf32, #tpu.memory_space<hbm>> -> memref<1000000x32xf32, #tpu.memory_space<hbm>>
    tpu.enqueue_indirect_dma source(%dma_start3A_71 : memref<1000000x32xf32, #tpu.memory_space<hbm>>) target(%dma_start3A_65 : memref<128x32xf32, #tpu.memory_space<vmem>>) offsets(%dma_start3A_68 : memref<128xi32, #tpu.memory_space<vmem>>) semaphore(%arg14 : memref<!tpu.dma_semaphore, #tpu.memory_space<semaphore_mem>>)
    %dma_start3A_72 = arith.constant 3 : i32
    %dma_start3A_73 = arith.constant 384 : i32
    %dma_start3A_74 = arith.constant 0 : i32
    %dma_start3A_75 = tpu.memref_slice %arg11[%dma_start3A_73, %dma_start3A_74] : memref<512x32xf32, #tpu.memory_space<vmem>> -> memref<128x32xf32, #tpu.memory_space<vmem>>
    %dma_start3A_76 = arith.constant 0 : i32
    %dma_start3A_77 = tpu.memref_slice %arg9[%dma_start3A_72, %dma_start3A_76] : memref<4x128xi32, #tpu.memory_space<vmem>> -> memref<1x128xi32, #tpu.memory_space<vmem>>
    %dma_start3A_78 = tpu.memref_squeeze %dma_start3A_77 : memref<1x128xi32, #tpu.memory_space<vmem>> -> memref<128xi32, #tpu.memory_space<vmem>>
    %dma_start3A_79 = arith.constant 0 : i32
    %dma_start3A_80 = arith.constant 0 : i32
    %dma_start3A_81 = tpu.memref_slice %arg5[%dma_start3A_79, %dma_start3A_80] : memref<1000000x32xf32, #tpu.memory_space<hbm>> -> memref<1000000x32xf32, #tpu.memory_space<hbm>>
    tpu.enqueue_indirect_dma source(%dma_start3A_81 : memref<1000000x32xf32, #tpu.memory_space<hbm>>) target(%dma_start3A_75 : memref<128x32xf32, #tpu.memory_space<vmem>>) offsets(%dma_start3A_78 : memref<128xi32, #tpu.memory_space<vmem>>) semaphore(%arg14 : memref<!tpu.dma_semaphore, #tpu.memory_space<semaphore_mem>>)
    %dma_wait3A = arith.constant 0 : i32
    %dma_wait3A_82 = arith.constant 0 : i32
    %dma_wait3A_83 = arith.constant 0 : i32
    %dma_wait3A_84 = tpu.memref_slice %arg10[%dma_wait3A_82, %dma_wait3A_83] : memref<512x32xf32, #tpu.memory_space<vmem>> -> memref<128x32xf32, #tpu.memory_space<vmem>>
    %dma_wait3A_85 = arith.constant 0 : i32
    %dma_wait3A_86 = tpu.memref_slice %arg8[%dma_wait3A, %dma_wait3A_85] : memref<4x128xi32, #tpu.memory_space<vmem>> -> memref<1x128xi32, #tpu.memory_space<vmem>>
    %dma_wait3A_87 = tpu.memref_squeeze %dma_wait3A_86 : memref<1x128xi32, #tpu.memory_space<vmem>> -> memref<128xi32, #tpu.memory_space<vmem>>
    %dma_wait3A_88 = arith.constant 0 : i32
    %dma_wait3A_89 = arith.constant 0 : i32
    %dma_wait3A_90 = tpu.memref_slice %arg4[%dma_wait3A_88, %dma_wait3A_89] : memref<1000000x32xf32, #tpu.memory_space<hbm>> -> memref<1000000x32xf32, #tpu.memory_space<hbm>>
    tpu.wait_indirect_dma semaphore(%arg14 : memref<!tpu.dma_semaphore, #tpu.memory_space<semaphore_mem>>) src(%dma_wait3A_90 : memref<1000000x32xf32, #tpu.memory_space<hbm>>) dst(%dma_wait3A_84 : memref<128x32xf32, #tpu.memory_space<vmem>>)
    %dma_wait3A_91 = arith.constant 1 : i32
    %dma_wait3A_92 = arith.constant 128 : i32
    %dma_wait3A_93 = arith.constant 0 : i32
    %dma_wait3A_94 = tpu.memref_slice %arg10[%dma_wait3A_92, %dma_wait3A_93] : memref<512x32xf32, #tpu.memory_space<vmem>> -> memref<128x32xf32, #tpu.memory_space<vmem>>
    %dma_wait3A_95 = arith.constant 0 : i32
    %dma_wait3A_96 = tpu.memref_slice %arg8[%dma_wait3A_91, %dma_wait3A_95] : memref<4x128xi32, #tpu.memory_space<vmem>> -> memref<1x128xi32, #tpu.memory_space<vmem>>
    %dma_wait3A_97 = tpu.memref_squeeze %dma_wait3A_96 : memref<1x128xi32, #tpu.memory_space<vmem>> -> memref<128xi32, #tpu.memory_space<vmem>>
    %dma_wait3A_98 = arith.constant 0 : i32
    %dma_wait3A_99 = arith.constant 0 : i32
    %dma_wait3A_100 = tpu.memref_slice %arg4[%dma_wait3A_98, %dma_wait3A_99] : memref<1000000x32xf32, #tpu.memory_space<hbm>> -> memref<1000000x32xf32, #tpu.memory_space<hbm>>
    tpu.wait_indirect_dma semaphore(%arg14 : memref<!tpu.dma_semaphore, #tpu.memory_space<semaphore_mem>>) src(%dma_wait3A_100 : memref<1000000x32xf32, #tpu.memory_space<hbm>>) dst(%dma_wait3A_94 : memref<128x32xf32, #tpu.memory_space<vmem>>)
    %dma_wait3A_101 = arith.constant 2 : i32
    %dma_wait3A_102 = arith.constant 256 : i32
    %dma_wait3A_103 = arith.constant 0 : i32
    %dma_wait3A_104 = tpu.memref_slice %arg10[%dma_wait3A_102, %dma_wait3A_103] : memref<512x32xf32, #tpu.memory_space<vmem>> -> memref<128x32xf32, #tpu.memory_space<vmem>>
    %dma_wait3A_105 = arith.constant 0 : i32
    %dma_wait3A_106 = tpu.memref_slice %arg8[%dma_wait3A_101, %dma_wait3A_105] : memref<4x128xi32, #tpu.memory_space<vmem>> -> memref<1x128xi32, #tpu.memory_space<vmem>>
    %dma_wait3A_107 = tpu.memref_squeeze %dma_wait3A_106 : memref<1x128xi32, #tpu.memory_space<vmem>> -> memref<128xi32, #tpu.memory_space<vmem>>
    %dma_wait3A_108 = arith.constant 0 : i32
    %dma_wait3A_109 = arith.constant 0 : i32
    %dma_wait3A_110 = tpu.memref_slice %arg4[%dma_wait3A_108, %dma_wait3A_109] : memref<1000000x32xf32, #tpu.memory_space<hbm>> -> memref<1000000x32xf32, #tpu.memory_space<hbm>>
    tpu.wait_indirect_dma semaphore(%arg14 : memref<!tpu.dma_semaphore, #tpu.memory_space<semaphore_mem>>) src(%dma_wait3A_110 : memref<1000000x32xf32, #tpu.memory_space<hbm>>) dst(%dma_wait3A_104 : memref<128x32xf32, #tpu.memory_space<vmem>>)
    %dma_wait3A_111 = arith.constant 3 : i32
    %dma_wait3A_112 = arith.constant 384 : i32
    %dma_wait3A_113 = arith.constant 0 : i32
    %dma_wait3A_114 = tpu.memref_slice %arg10[%dma_wait3A_112, %dma_wait3A_113] : memref<512x32xf32, #tpu.memory_space<vmem>> -> memref<128x32xf32, #tpu.memory_space<vmem>>
    %dma_wait3A_115 = arith.constant 0 : i32
    %dma_wait3A_116 = tpu.memref_slice %arg8[%dma_wait3A_111, %dma_wait3A_115] : memref<4x128xi32, #tpu.memory_space<vmem>> -> memref<1x128xi32, #tpu.memory_space<vmem>>
    %dma_wait3A_117 = tpu.memref_squeeze %dma_wait3A_116 : memref<1x128xi32, #tpu.memory_space<vmem>> -> memref<128xi32, #tpu.memory_space<vmem>>
    %dma_wait3A_118 = arith.constant 0 : i32
    %dma_wait3A_119 = arith.constant 0 : i32
    %dma_wait3A_120 = tpu.memref_slice %arg4[%dma_wait3A_118, %dma_wait3A_119] : memref<1000000x32xf32, #tpu.memory_space<hbm>> -> memref<1000000x32xf32, #tpu.memory_space<hbm>>
    tpu.wait_indirect_dma semaphore(%arg14 : memref<!tpu.dma_semaphore, #tpu.memory_space<semaphore_mem>>) src(%dma_wait3A_120 : memref<1000000x32xf32, #tpu.memory_space<hbm>>) dst(%dma_wait3A_114 : memref<128x32xf32, #tpu.memory_space<vmem>>)
    %dma_wait3A_121 = arith.constant 0 : i32
    %dma_wait3A_122 = arith.constant 0 : i32
    %dma_wait3A_123 = arith.constant 0 : i32
    %dma_wait3A_124 = tpu.memref_slice %arg11[%dma_wait3A_122, %dma_wait3A_123] : memref<512x32xf32, #tpu.memory_space<vmem>> -> memref<128x32xf32, #tpu.memory_space<vmem>>
    %dma_wait3A_125 = arith.constant 0 : i32
    %dma_wait3A_126 = tpu.memref_slice %arg9[%dma_wait3A_121, %dma_wait3A_125] : memref<4x128xi32, #tpu.memory_space<vmem>> -> memref<1x128xi32, #tpu.memory_space<vmem>>
    %dma_wait3A_127 = tpu.memref_squeeze %dma_wait3A_126 : memref<1x128xi32, #tpu.memory_space<vmem>> -> memref<128xi32, #tpu.memory_space<vmem>>
    %dma_wait3A_128 = arith.constant 0 : i32
    %dma_wait3A_129 = arith.constant 0 : i32
    %dma_wait3A_130 = tpu.memref_slice %arg5[%dma_wait3A_128, %dma_wait3A_129] : memref<1000000x32xf32, #tpu.memory_space<hbm>> -> memref<1000000x32xf32, #tpu.memory_space<hbm>>
    tpu.wait_indirect_dma semaphore(%arg14 : memref<!tpu.dma_semaphore, #tpu.memory_space<semaphore_mem>>) src(%dma_wait3A_130 : memref<1000000x32xf32, #tpu.memory_space<hbm>>) dst(%dma_wait3A_124 : memref<128x32xf32, #tpu.memory_space<vmem>>)
    %dma_wait3A_131 = arith.constant 1 : i32
    %dma_wait3A_132 = arith.constant 128 : i32
    %dma_wait3A_133 = arith.constant 0 : i32
    %dma_wait3A_134 = tpu.memref_slice %arg11[%dma_wait3A_132, %dma_wait3A_133] : memref<512x32xf32, #tpu.memory_space<vmem>> -> memref<128x32xf32, #tpu.memory_space<vmem>>
    %dma_wait3A_135 = arith.constant 0 : i32
    %dma_wait3A_136 = tpu.memref_slice %arg9[%dma_wait3A_131, %dma_wait3A_135] : memref<4x128xi32, #tpu.memory_space<vmem>> -> memref<1x128xi32, #tpu.memory_space<vmem>>
    %dma_wait3A_137 = tpu.memref_squeeze %dma_wait3A_136 : memref<1x128xi32, #tpu.memory_space<vmem>> -> memref<128xi32, #tpu.memory_space<vmem>>
    %dma_wait3A_138 = arith.constant 0 : i32
    %dma_wait3A_139 = arith.constant 0 : i32
    %dma_wait3A_140 = tpu.memref_slice %arg5[%dma_wait3A_138, %dma_wait3A_139] : memref<1000000x32xf32, #tpu.memory_space<hbm>> -> memref<1000000x32xf32, #tpu.memory_space<hbm>>
    tpu.wait_indirect_dma semaphore(%arg14 : memref<!tpu.dma_semaphore, #tpu.memory_space<semaphore_mem>>) src(%dma_wait3A_140 : memref<1000000x32xf32, #tpu.memory_space<hbm>>) dst(%dma_wait3A_134 : memref<128x32xf32, #tpu.memory_space<vmem>>)
    %dma_wait3A_141 = arith.constant 2 : i32
    %dma_wait3A_142 = arith.constant 256 : i32
    %dma_wait3A_143 = arith.constant 0 : i32
    %dma_wait3A_144 = tpu.memref_slice %arg11[%dma_wait3A_142, %dma_wait3A_143] : memref<512x32xf32, #tpu.memory_space<vmem>> -> memref<128x32xf32, #tpu.memory_space<vmem>>
    %dma_wait3A_145 = arith.constant 0 : i32
    %dma_wait3A_146 = tpu.memref_slice %arg9[%dma_wait3A_141, %dma_wait3A_145] : memref<4x128xi32, #tpu.memory_space<vmem>> -> memref<1x128xi32, #tpu.memory_space<vmem>>
    %dma_wait3A_147 = tpu.memref_squeeze %dma_wait3A_146 : memref<1x128xi32, #tpu.memory_space<vmem>> -> memref<128xi32, #tpu.memory_space<vmem>>
    %dma_wait3A_148 = arith.constant 0 : i32
    %dma_wait3A_149 = arith.constant 0 : i32
    %dma_wait3A_150 = tpu.memref_slice %arg5[%dma_wait3A_148, %dma_wait3A_149] : memref<1000000x32xf32, #tpu.memory_space<hbm>> -> memref<1000000x32xf32, #tpu.memory_space<hbm>>
    tpu.wait_indirect_dma semaphore(%arg14 : memref<!tpu.dma_semaphore, #tpu.memory_space<semaphore_mem>>) src(%dma_wait3A_150 : memref<1000000x32xf32, #tpu.memory_space<hbm>>) dst(%dma_wait3A_144 : memref<128x32xf32, #tpu.memory_space<vmem>>)
    %dma_wait3A_151 = arith.constant 3 : i32
    %dma_wait3A_152 = arith.constant 384 : i32
    %dma_wait3A_153 = arith.constant 0 : i32
    %dma_wait3A_154 = tpu.memref_slice %arg11[%dma_wait3A_152, %dma_wait3A_153] : memref<512x32xf32, #tpu.memory_space<vmem>> -> memref<128x32xf32, #tpu.memory_space<vmem>>
    %dma_wait3A_155 = arith.constant 0 : i32
    %dma_wait3A_156 = tpu.memref_slice %arg9[%dma_wait3A_151, %dma_wait3A_155] : memref<4x128xi32, #tpu.memory_space<vmem>> -> memref<1x128xi32, #tpu.memory_space<vmem>>
    %dma_wait3A_157 = tpu.memref_squeeze %dma_wait3A_156 : memref<1x128xi32, #tpu.memory_space<vmem>> -> memref<128xi32, #tpu.memory_space<vmem>>
    %dma_wait3A_158 = arith.constant 0 : i32
    %dma_wait3A_159 = arith.constant 0 : i32
    %dma_wait3A_160 = tpu.memref_slice %arg5[%dma_wait3A_158, %dma_wait3A_159] : memref<1000000x32xf32, #tpu.memory_space<hbm>> -> memref<1000000x32xf32, #tpu.memory_space<hbm>>
    tpu.wait_indirect_dma semaphore(%arg14 : memref<!tpu.dma_semaphore, #tpu.memory_space<semaphore_mem>>) src(%dma_wait3A_160 : memref<1000000x32xf32, #tpu.memory_space<hbm>>) dst(%dma_wait3A_154 : memref<128x32xf32, #tpu.memory_space<vmem>>)
    %get3A = arith.constant 0 : index
    %get3A_161 = tpu.vector_load %arg12[%get3A] {strides = array<i32>} : memref<48xf32, #tpu.memory_space<vmem>>, vector<16xf32>,
    %get3A_162 = arith.constant 16 : index
    %get3A_163 = tpu.vector_load %arg12[%get3A_162] {strides = array<i32>} : memref<48xf32, #tpu.memory_space<vmem>>, vector<16xf32>,
    %get3A_164 = arith.constant 32 : index
    %get3A_165 = tpu.vector_load %arg12[%get3A_164] {strides = array<i32>} : memref<48xf32, #tpu.memory_space<vmem>>, vector<16xf32>,
    %iota3A = tpu.iota {dimensions = array<i32: 0>} : vector<16xi32>
    %scan3A = arith.constant 0 : i32
    %scan3A_166 = arith.constant 32 : i32
    %scan3A_167 = arith.addi %scan3A, %scan3A_166 : i32
    %scan3A_168 = arith.constant 1 : i32
    scf.for %scan3A_170 = %scan3A to %scan3A_167 step %scan3A_168  : i32 {
      %mul3A_171 = arith.constant 16 : i32
      %mul3A_172 = arith.muli %scan3A_170, %mul3A_171 : i32
      %add3A_173 = arith.constant 0 : i32
      %add3A_174 = arith.addi %mul3A_172, %add3A_173 : i32
      %get3A_175 = arith.index_cast %add3A_174 : i32 to index
      %get3A_176 = arith.constant 0 : index
      %get3A_177 = tpu.vector_load %arg10[%get3A_175, %get3A_176] {strides = array<i32>} : memref<512x32xf32, #tpu.memory_space<vmem>>, vector<16xf32>,
      %get3A_178 = arith.index_cast %add3A_174 : i32 to index
      %get3A_179 = arith.constant 16 : index
      %get3A_180 = tpu.vector_load %arg10[%get3A_178, %get3A_179] {strides = array<i32>} : memref<512x32xf32, #tpu.memory_space<vmem>>, vector<16xf32>,
      %get3A_181 = arith.index_cast %add3A_174 : i32 to index
      %get3A_182 = arith.constant 0 : index
      %get3A_183 = tpu.vector_load %arg11[%get3A_181, %get3A_182] {strides = array<i32>} : memref<512x32xf32, #tpu.memory_space<vmem>>, vector<16xf32>,
      %get3A_184 = arith.index_cast %add3A_174 : i32 to index
      %get3A_185 = arith.constant 16 : index
      %get3A_186 = tpu.vector_load %arg11[%get3A_184, %get3A_185] {strides = array<i32>} : memref<512x32xf32, #tpu.memory_space<vmem>>, vector<16xf32>,
      %mul3A_187 = arith.mulf %get3A_177, %get3A_183 : vector<16xf32>
      %mul3A_188 = arith.mulf %mul3A_187, %get3A_161 : vector<16xf32>
      %mul3A_189 = arith.mulf %get3A_180, %get3A_186 : vector<16xf32>
      %mul3A_190 = arith.mulf %mul3A_189, %get3A_163 : vector<16xf32>
      %add3A_191 = arith.addf %mul3A_188, %mul3A_190 : vector<16xf32>
      %reduce_sum3A = arith.constant true
      %reduce_sum3A_192 = vector.broadcast %reduce_sum3A : i1 to vector<16xi1>
      %reduce_sum3A_193 = tpu.scan <sum>, %add3A_191 masked %reduce_sum3A_192 : vector<16xf32>, vector<16xi1> -> vector<16xf32>
      %reduce_sum3A_194 = vector.extract %reduce_sum3A_193[15] : f32 from vector<16xf32>
      %eq3A = arith.constant 0 : i32
      %eq3A_195 = vector.broadcast %eq3A : i32 to vector<16xi32>
      %eq3A_196 = arith.cmpi eq, %iota3A, %eq3A_195 : vector<16xi32>
      %add3A_197 = vector.broadcast %reduce_sum3A_194 : f32 to vector<16xf32>
      %add3A_198 = arith.addf %get3A_165, %add3A_197 : vector<16xf32>
      %select_n3A = arith.select %eq3A_196, %add3A_198, %get3A_165 : vector<16xi1>, vector<16xf32>
      %add3A_199 = arith.constant 1 : i32
      %add3A_200 = arith.addi %mul3A_172, %add3A_199 : i32
      %get3A_201 = arith.index_cast %add3A_200 : i32 to index
      %get3A_202 = arith.constant 0 : index
      %get3A_203 = tpu.vector_load %arg10[%get3A_201, %get3A_202] {strides = array<i32>} : memref<512x32xf32, #tpu.memory_space<vmem>>, vector<16xf32>,
      %get3A_204 = arith.index_cast %add3A_200 : i32 to index
      %get3A_205 = arith.constant 16 : index
      %get3A_206 = tpu.vector_load %arg10[%get3A_204, %get3A_205] {strides = array<i32>} : memref<512x32xf32, #tpu.memory_space<vmem>>, vector<16xf32>,
      %get3A_207 = arith.index_cast %add3A_200 : i32 to index
      %get3A_208 = arith.constant 0 : index
      %get3A_209 = tpu.vector_load %arg11[%get3A_207, %get3A_208] {strides = array<i32>} : memref<512x32xf32, #tpu.memory_space<vmem>>, vector<16xf32>,
      %get3A_210 = arith.index_cast %add3A_200 : i32 to index
      %get3A_211 = arith.constant 16 : index
      %get3A_212 = tpu.vector_load %arg11[%get3A_210, %get3A_211] {strides = array<i32>} : memref<512x32xf32, #tpu.memory_space<vmem>>, vector<16xf32>,
      %mul3A_213 = arith.mulf %get3A_203, %get3A_209 : vector<16xf32>
      %mul3A_214 = arith.mulf %mul3A_213, %get3A_161 : vector<16xf32>
      %mul3A_215 = arith.mulf %get3A_206, %get3A_212 : vector<16xf32>
      %mul3A_216 = arith.mulf %mul3A_215, %get3A_163 : vector<16xf32>
      %add3A_217 = arith.addf %mul3A_214, %mul3A_216 : vector<16xf32>
      %reduce_sum3A_218 = arith.constant true
      %reduce_sum3A_219 = vector.broadcast %reduce_sum3A_218 : i1 to vector<16xi1>
      %reduce_sum3A_220 = tpu.scan <sum>, %add3A_217 masked %reduce_sum3A_219 : vector<16xf32>, vector<16xi1> -> vector<16xf32>
      %reduce_sum3A_221 = vector.extract %reduce_sum3A_220[15] : f32 from vector<16xf32>
      %eq3A_222 = arith.constant 1 : i32
      %eq3A_223 = vector.broadcast %eq3A_222 : i32 to vector<16xi32>
      %eq3A_224 = arith.cmpi eq, %iota3A, %eq3A_223 : vector<16xi32>
      %add3A_225 = vector.broadcast %reduce_sum3A_221 : f32 to vector<16xf32>
      %add3A_226 = arith.addf %select_n3A, %add3A_225 : vector<16xf32>
      %select_n3A_227 = arith.select %eq3A_224, %add3A_226, %select_n3A : vector<16xi1>, vector<16xf32>
      %add3A_228 = arith.constant 2 : i32
      %add3A_229 = arith.addi %mul3A_172, %add3A_228 : i32
      %get3A_230 = arith.index_cast %add3A_229 : i32 to index
      %get3A_231 = arith.constant 0 : index
      %get3A_232 = tpu.vector_load %arg10[%get3A_230, %get3A_231] {strides = array<i32>} : memref<512x32xf32, #tpu.memory_space<vmem>>, vector<16xf32>,
      %get3A_233 = arith.index_cast %add3A_229 : i32 to index
      %get3A_234 = arith.constant 16 : index
      %get3A_235 = tpu.vector_load %arg10[%get3A_233, %get3A_234] {strides = array<i32>} : memref<512x32xf32, #tpu.memory_space<vmem>>, vector<16xf32>,
      %get3A_236 = arith.index_cast %add3A_229 : i32 to index
      %get3A_237 = arith.constant 0 : index
      %get3A_238 = tpu.vector_load %arg11[%get3A_236, %get3A_237] {strides = array<i32>} : memref<512x32xf32, #tpu.memory_space<vmem>>, vector<16xf32>,
      %get3A_239 = arith.index_cast %add3A_229 : i32 to index
      %get3A_240 = arith.constant 16 : index
      %get3A_241 = tpu.vector_load %arg11[%get3A_239, %get3A_240] {strides = array<i32>} : memref<512x32xf32, #tpu.memory_space<vmem>>, vector<16xf32>,
      %mul3A_242 = arith.mulf %get3A_232, %get3A_238 : vector<16xf32>
      %mul3A_243 = arith.mulf %mul3A_242, %get3A_161 : vector<16xf32>
      %mul3A_244 = arith.mulf %get3A_235, %get3A_241 : vector<16xf32>
      %mul3A_245 = arith.mulf %mul3A_244, %get3A_163 : vector<16xf32>
      %add3A_246 = arith.addf %mul3A_243, %mul3A_245 : vector<16xf32>
      %reduce_sum3A_247 = arith.constant true
      %reduce_sum3A_248 = vector.broadcast %reduce_sum3A_247 : i1 to vector<16xi1>
      %reduce_sum3A_249 = tpu.scan <sum>, %add3A_246 masked %reduce_sum3A_248 : vector<16xf32>, vector<16xi1> -> vector<16xf32>
      %reduce_sum3A_250 = vector.extract %reduce_sum3A_249[15] : f32 from vector<16xf32>
      %eq3A_251 = arith.constant 2 : i32
      %eq3A_252 = vector.broadcast %eq3A_251 : i32 to vector<16xi32>
      %eq3A_253 = arith.cmpi eq, %iota3A, %eq3A_252 : vector<16xi32>
      %add3A_254 = vector.broadcast %reduce_sum3A_250 : f32 to vector<16xf32>
      %add3A_255 = arith.addf %select_n3A_227, %add3A_254 : vector<16xf32>
      %select_n3A_256 = arith.select %eq3A_253, %add3A_255, %select_n3A_227 : vector<16xi1>, vector<16xf32>
      %add3A_257 = arith.constant 3 : i32
      %add3A_258 = arith.addi %mul3A_172, %add3A_257 : i32
      %get3A_259 = arith.index_cast %add3A_258 : i32 to index
      %get3A_260 = arith.constant 0 : index
      %get3A_261 = tpu.vector_load %arg10[%get3A_259, %get3A_260] {strides = array<i32>} : memref<512x32xf32, #tpu.memory_space<vmem>>, vector<16xf32>,
      %get3A_262 = arith.index_cast %add3A_258 : i32 to index
      %get3A_263 = arith.constant 16 : index
      %get3A_264 = tpu.vector_load %arg10[%get3A_262, %get3A_263] {strides = array<i32>} : memref<512x32xf32, #tpu.memory_space<vmem>>, vector<16xf32>,
      %get3A_265 = arith.index_cast %add3A_258 : i32 to index
      %get3A_266 = arith.constant 0 : index
      %get3A_267 = tpu.vector_load %arg11[%get3A_265, %get3A_266] {strides = array<i32>} : memref<512x32xf32, #tpu.memory_space<vmem>>, vector<16xf32>,
      %get3A_268 = arith.index_cast %add3A_258 : i32 to index
      %get3A_269 = arith.constant 16 : index
      %get3A_270 = tpu.vector_load %arg11[%get3A_268, %get3A_269] {strides = array<i32>} : memref<512x32xf32, #tpu.memory_space<vmem>>, vector<16xf32>,
      %mul3A_271 = arith.mulf %get3A_261, %get3A_267 : vector<16xf32>
      %mul3A_272 = arith.mulf %mul3A_271, %get3A_161 : vector<16xf32>
      %mul3A_273 = arith.mulf %get3A_264, %get3A_270 : vector<16xf32>
      %mul3A_274 = arith.mulf %mul3A_273, %get3A_163 : vector<16xf32>
      %add3A_275 = arith.addf %mul3A_272, %mul3A_274 : vector<16xf32>
      %reduce_sum3A_276 = arith.constant true
      %reduce_sum3A_277 = vector.broadcast %reduce_sum3A_276 : i1 to vector<16xi1>
      %reduce_sum3A_278 = tpu.scan <sum>, %add3A_275 masked %reduce_sum3A_277 : vector<16xf32>, vector<16xi1> -> vector<16xf32>
      %reduce_sum3A_279 = vector.extract %reduce_sum3A_278[15] : f32 from vector<16xf32>
      %eq3A_280 = arith.constant 3 : i32
      %eq3A_281 = vector.broadcast %eq3A_280 : i32 to vector<16xi32>
      %eq3A_282 = arith.cmpi eq, %iota3A, %eq3A_281 : vector<16xi32>
      %add3A_283 = vector.broadcast %reduce_sum3A_279 : f32 to vector<16xf32>
      %add3A_284 = arith.addf %select_n3A_256, %add3A_283 : vector<16xf32>
      %select_n3A_285 = arith.select %eq3A_282, %add3A_284, %select_n3A_256 : vector<16xi1>, vector<16xf32>
      %add3A_286 = arith.constant 4 : i32
      %add3A_287 = arith.addi %mul3A_172, %add3A_286 : i32
      %get3A_288 = arith.index_cast %add3A_287 : i32 to index
      %get3A_289 = arith.constant 0 : index
      %get3A_290 = tpu.vector_load %arg10[%get3A_288, %get3A_289] {strides = array<i32>} : memref<512x32xf32, #tpu.memory_space<vmem>>, vector<16xf32>,
      %get3A_291 = arith.index_cast %add3A_287 : i32 to index
      %get3A_292 = arith.constant 16 : index
      %get3A_293 = tpu.vector_load %arg10[%get3A_291, %get3A_292] {strides = array<i32>} : memref<512x32xf32, #tpu.memory_space<vmem>>, vector<16xf32>,
      %get3A_294 = arith.index_cast %add3A_287 : i32 to index
      %get3A_295 = arith.constant 0 : index
      %get3A_296 = tpu.vector_load %arg11[%get3A_294, %get3A_295] {strides = array<i32>} : memref<512x32xf32, #tpu.memory_space<vmem>>, vector<16xf32>,
      %get3A_297 = arith.index_cast %add3A_287 : i32 to index
      %get3A_298 = arith.constant 16 : index
      %get3A_299 = tpu.vector_load %arg11[%get3A_297, %get3A_298] {strides = array<i32>} : memref<512x32xf32, #tpu.memory_space<vmem>>, vector<16xf32>,
      %mul3A_300 = arith.mulf %get3A_290, %get3A_296 : vector<16xf32>
      %mul3A_301 = arith.mulf %mul3A_300, %get3A_161 : vector<16xf32>
      %mul3A_302 = arith.mulf %get3A_293, %get3A_299 : vector<16xf32>
      %mul3A_303 = arith.mulf %mul3A_302, %get3A_163 : vector<16xf32>
      %add3A_304 = arith.addf %mul3A_301, %mul3A_303 : vector<16xf32>
      %reduce_sum3A_305 = arith.constant true
      %reduce_sum3A_306 = vector.broadcast %reduce_sum3A_305 : i1 to vector<16xi1>
      %reduce_sum3A_307 = tpu.scan <sum>, %add3A_304 masked %reduce_sum3A_306 : vector<16xf32>, vector<16xi1> -> vector<16xf32>
      %reduce_sum3A_308 = vector.extract %reduce_sum3A_307[15] : f32 from vector<16xf32>
      %eq3A_309 = arith.constant 4 : i32
      %eq3A_310 = vector.broadcast %eq3A_309 : i32 to vector<16xi32>
      %eq3A_311 = arith.cmpi eq, %iota3A, %eq3A_310 : vector<16xi32>
      %add3A_312 = vector.broadcast %reduce_sum3A_308 : f32 to vector<16xf32>
      %add3A_313 = arith.addf %select_n3A_285, %add3A_312 : vector<16xf32>
      %select_n3A_314 = arith.select %eq3A_311, %add3A_313, %select_n3A_285 : vector<16xi1>, vector<16xf32>
      %add3A_315 = arith.constant 5 : i32
      %add3A_316 = arith.addi %mul3A_172, %add3A_315 : i32
      %get3A_317 = arith.index_cast %add3A_316 : i32 to index
      %get3A_318 = arith.constant 0 : index
      %get3A_319 = tpu.vector_load %arg10[%get3A_317, %get3A_318] {strides = array<i32>} : memref<512x32xf32, #tpu.memory_space<vmem>>, vector<16xf32>,
      %get3A_320 = arith.index_cast %add3A_316 : i32 to index
      %get3A_321 = arith.constant 16 : index
      %get3A_322 = tpu.vector_load %arg10[%get3A_320, %get3A_321] {strides = array<i32>} : memref<512x32xf32, #tpu.memory_space<vmem>>, vector<16xf32>,
      %get3A_323 = arith.index_cast %add3A_316 : i32 to index
      %get3A_324 = arith.constant 0 : index
      %get3A_325 = tpu.vector_load %arg11[%get3A_323, %get3A_324] {strides = array<i32>} : memref<512x32xf32, #tpu.memory_space<vmem>>, vector<16xf32>,
      %get3A_326 = arith.index_cast %add3A_316 : i32 to index
      %get3A_327 = arith.constant 16 : index
      %get3A_328 = tpu.vector_load %arg11[%get3A_326, %get3A_327] {strides = array<i32>} : memref<512x32xf32, #tpu.memory_space<vmem>>, vector<16xf32>,
      %mul3A_329 = arith.mulf %get3A_319, %get3A_325 : vector<16xf32>
      %mul3A_330 = arith.mulf %mul3A_329, %get3A_161 : vector<16xf32>
      %mul3A_331 = arith.mulf %get3A_322, %get3A_328 : vector<16xf32>
      %mul3A_332 = arith.mulf %mul3A_331, %get3A_163 : vector<16xf32>
      %add3A_333 = arith.addf %mul3A_330, %mul3A_332 : vector<16xf32>
      %reduce_sum3A_334 = arith.constant true
      %reduce_sum3A_335 = vector.broadcast %reduce_sum3A_334 : i1 to vector<16xi1>
      %reduce_sum3A_336 = tpu.scan <sum>, %add3A_333 masked %reduce_sum3A_335 : vector<16xf32>, vector<16xi1> -> vector<16xf32>
      %reduce_sum3A_337 = vector.extract %reduce_sum3A_336[15] : f32 from vector<16xf32>
      %eq3A_338 = arith.constant 5 : i32
      %eq3A_339 = vector.broadcast %eq3A_338 : i32 to vector<16xi32>
      %eq3A_340 = arith.cmpi eq, %iota3A, %eq3A_339 : vector<16xi32>
      %add3A_341 = vector.broadcast %reduce_sum3A_337 : f32 to vector<16xf32>
      %add3A_342 = arith.addf %select_n3A_314, %add3A_341 : vector<16xf32>
      %select_n3A_343 = arith.select %eq3A_340, %add3A_342, %select_n3A_314 : vector<16xi1>, vector<16xf32>
      %add3A_344 = arith.constant 6 : i32
      %add3A_345 = arith.addi %mul3A_172, %add3A_344 : i32
      %get3A_346 = arith.index_cast %add3A_345 : i32 to index
      %get3A_347 = arith.constant 0 : index
      %get3A_348 = tpu.vector_load %arg10[%get3A_346, %get3A_347] {strides = array<i32>} : memref<512x32xf32, #tpu.memory_space<vmem>>, vector<16xf32>,
      %get3A_349 = arith.index_cast %add3A_345 : i32 to index
      %get3A_350 = arith.constant 16 : index
      %get3A_351 = tpu.vector_load %arg10[%get3A_349, %get3A_350] {strides = array<i32>} : memref<512x32xf32, #tpu.memory_space<vmem>>, vector<16xf32>,
      %get3A_352 = arith.index_cast %add3A_345 : i32 to index
      %get3A_353 = arith.constant 0 : index
      %get3A_354 = tpu.vector_load %arg11[%get3A_352, %get3A_353] {strides = array<i32>} : memref<512x32xf32, #tpu.memory_space<vmem>>, vector<16xf32>,
      %get3A_355 = arith.index_cast %add3A_345 : i32 to index
      %get3A_356 = arith.constant 16 : index
      %get3A_357 = tpu.vector_load %arg11[%get3A_355, %get3A_356] {strides = array<i32>} : memref<512x32xf32, #tpu.memory_space<vmem>>, vector<16xf32>,
      %mul3A_358 = arith.mulf %get3A_348, %get3A_354 : vector<16xf32>
      %mul3A_359 = arith.mulf %mul3A_358, %get3A_161 : vector<16xf32>
      %mul3A_360 = arith.mulf %get3A_351, %get3A_357 : vector<16xf32>
      %mul3A_361 = arith.mulf %mul3A_360, %get3A_163 : vector<16xf32>
      %add3A_362 = arith.addf %mul3A_359, %mul3A_361 : vector<16xf32>
      %reduce_sum3A_363 = arith.constant true
      %reduce_sum3A_364 = vector.broadcast %reduce_sum3A_363 : i1 to vector<16xi1>
      %reduce_sum3A_365 = tpu.scan <sum>, %add3A_362 masked %reduce_sum3A_364 : vector<16xf32>, vector<16xi1> -> vector<16xf32>
      %reduce_sum3A_366 = vector.extract %reduce_sum3A_365[15] : f32 from vector<16xf32>
      %eq3A_367 = arith.constant 6 : i32
      %eq3A_368 = vector.broadcast %eq3A_367 : i32 to vector<16xi32>
      %eq3A_369 = arith.cmpi eq, %iota3A, %eq3A_368 : vector<16xi32>
      %add3A_370 = vector.broadcast %reduce_sum3A_366 : f32 to vector<16xf32>
      %add3A_371 = arith.addf %select_n3A_343, %add3A_370 : vector<16xf32>
      %select_n3A_372 = arith.select %eq3A_369, %add3A_371, %select_n3A_343 : vector<16xi1>, vector<16xf32>
      %add3A_373 = arith.constant 7 : i32
      %add3A_374 = arith.addi %mul3A_172, %add3A_373 : i32
      %get3A_375 = arith.index_cast %add3A_374 : i32 to index
      %get3A_376 = arith.constant 0 : index
      %get3A_377 = tpu.vector_load %arg10[%get3A_375, %get3A_376] {strides = array<i32>} : memref<512x32xf32, #tpu.memory_space<vmem>>, vector<16xf32>,
      %get3A_378 = arith.index_cast %add3A_374 : i32 to index
      %get3A_379 = arith.constant 16 : index
      %get3A_380 = tpu.vector_load %arg10[%get3A_378, %get3A_379] {strides = array<i32>} : memref<512x32xf32, #tpu.memory_space<vmem>>, vector<16xf32>,
      %get3A_381 = arith.index_cast %add3A_374 : i32 to index
      %get3A_382 = arith.constant 0 : index
      %get3A_383 = tpu.vector_load %arg11[%get3A_381, %get3A_382] {strides = array<i32>} : memref<512x32xf32, #tpu.memory_space<vmem>>, vector<16xf32>,
      %get3A_384 = arith.index_cast %add3A_374 : i32 to index
      %get3A_385 = arith.constant 16 : index
      %get3A_386 = tpu.vector_load %arg11[%get3A_384, %get3A_385] {strides = array<i32>} : memref<512x32xf32, #tpu.memory_space<vmem>>, vector<16xf32>,
      %mul3A_387 = arith.mulf %get3A_377, %get3A_383 : vector<16xf32>
      %mul3A_388 = arith.mulf %mul3A_387, %get3A_161 : vector<16xf32>
      %mul3A_389 = arith.mulf %get3A_380, %get3A_386 : vector<16xf32>
      %mul3A_390 = arith.mulf %mul3A_389, %get3A_163 : vector<16xf32>
      %add3A_391 = arith.addf %mul3A_388, %mul3A_390 : vector<16xf32>
      %reduce_sum3A_392 = arith.constant true
      %reduce_sum3A_393 = vector.broadcast %reduce_sum3A_392 : i1 to vector<16xi1>
      %reduce_sum3A_394 = tpu.scan <sum>, %add3A_391 masked %reduce_sum3A_393 : vector<16xf32>, vector<16xi1> -> vector<16xf32>
      %reduce_sum3A_395 = vector.extract %reduce_sum3A_394[15] : f32 from vector<16xf32>
      %eq3A_396 = arith.constant 7 : i32
      %eq3A_397 = vector.broadcast %eq3A_396 : i32 to vector<16xi32>
      %eq3A_398 = arith.cmpi eq, %iota3A, %eq3A_397 : vector<16xi32>
      %add3A_399 = vector.broadcast %reduce_sum3A_395 : f32 to vector<16xf32>
      %add3A_400 = arith.addf %select_n3A_372, %add3A_399 : vector<16xf32>
      %select_n3A_401 = arith.select %eq3A_398, %add3A_400, %select_n3A_372 : vector<16xi1>, vector<16xf32>
      %add3A_402 = arith.constant 8 : i32
      %add3A_403 = arith.addi %mul3A_172, %add3A_402 : i32
      %get3A_404 = arith.index_cast %add3A_403 : i32 to index
      %get3A_405 = arith.constant 0 : index
      %get3A_406 = tpu.vector_load %arg10[%get3A_404, %get3A_405] {strides = array<i32>} : memref<512x32xf32, #tpu.memory_space<vmem>>, vector<16xf32>,
      %get3A_407 = arith.index_cast %add3A_403 : i32 to index
      %get3A_408 = arith.constant 16 : index
      %get3A_409 = tpu.vector_load %arg10[%get3A_407, %get3A_408] {strides = array<i32>} : memref<512x32xf32, #tpu.memory_space<vmem>>, vector<16xf32>,
      %get3A_410 = arith.index_cast %add3A_403 : i32 to index
      %get3A_411 = arith.constant 0 : index
      %get3A_412 = tpu.vector_load %arg11[%get3A_410, %get3A_411] {strides = array<i32>} : memref<512x32xf32, #tpu.memory_space<vmem>>, vector<16xf32>,
      %get3A_413 = arith.index_cast %add3A_403 : i32 to index
      %get3A_414 = arith.constant 16 : index
      %get3A_415 = tpu.vector_load %arg11[%get3A_413, %get3A_414] {strides = array<i32>} : memref<512x32xf32, #tpu.memory_space<vmem>>, vector<16xf32>,
      %mul3A_416 = arith.mulf %get3A_406, %get3A_412 : vector<16xf32>
      %mul3A_417 = arith.mulf %mul3A_416, %get3A_161 : vector<16xf32>
      %mul3A_418 = arith.mulf %get3A_409, %get3A_415 : vector<16xf32>
      %mul3A_419 = arith.mulf %mul3A_418, %get3A_163 : vector<16xf32>
      %add3A_420 = arith.addf %mul3A_417, %mul3A_419 : vector<16xf32>
      %reduce_sum3A_421 = arith.constant true
      %reduce_sum3A_422 = vector.broadcast %reduce_sum3A_421 : i1 to vector<16xi1>
      %reduce_sum3A_423 = tpu.scan <sum>, %add3A_420 masked %reduce_sum3A_422 : vector<16xf32>, vector<16xi1> -> vector<16xf32>
      %reduce_sum3A_424 = vector.extract %reduce_sum3A_423[15] : f32 from vector<16xf32>
      %eq3A_425 = arith.constant 8 : i32
      %eq3A_426 = vector.broadcast %eq3A_425 : i32 to vector<16xi32>
      %eq3A_427 = arith.cmpi eq, %iota3A, %eq3A_426 : vector<16xi32>
      %add3A_428 = vector.broadcast %reduce_sum3A_424 : f32 to vector<16xf32>
      %add3A_429 = arith.addf %select_n3A_401, %add3A_428 : vector<16xf32>
      %select_n3A_430 = arith.select %eq3A_427, %add3A_429, %select_n3A_401 : vector<16xi1>, vector<16xf32>
      %add3A_431 = arith.constant 9 : i32
      %add3A_432 = arith.addi %mul3A_172, %add3A_431 : i32
      %get3A_433 = arith.index_cast %add3A_432 : i32 to index
      %get3A_434 = arith.constant 0 : index
      %get3A_435 = tpu.vector_load %arg10[%get3A_433, %get3A_434] {strides = array<i32>} : memref<512x32xf32, #tpu.memory_space<vmem>>, vector<16xf32>,
      %get3A_436 = arith.index_cast %add3A_432 : i32 to index
      %get3A_437 = arith.constant 16 : index
      %get3A_438 = tpu.vector_load %arg10[%get3A_436, %get3A_437] {strides = array<i32>} : memref<512x32xf32, #tpu.memory_space<vmem>>, vector<16xf32>,
      %get3A_439 = arith.index_cast %add3A_432 : i32 to index
      %get3A_440 = arith.constant 0 : index
      %get3A_441 = tpu.vector_load %arg11[%get3A_439, %get3A_440] {strides = array<i32>} : memref<512x32xf32, #tpu.memory_space<vmem>>, vector<16xf32>,
      %get3A_442 = arith.index_cast %add3A_432 : i32 to index
      %get3A_443 = arith.constant 16 : index
      %get3A_444 = tpu.vector_load %arg11[%get3A_442, %get3A_443] {strides = array<i32>} : memref<512x32xf32, #tpu.memory_space<vmem>>, vector<16xf32>,
      %mul3A_445 = arith.mulf %get3A_435, %get3A_441 : vector<16xf32>
      %mul3A_446 = arith.mulf %mul3A_445, %get3A_161 : vector<16xf32>
      %mul3A_447 = arith.mulf %get3A_438, %get3A_444 : vector<16xf32>
      %mul3A_448 = arith.mulf %mul3A_447, %get3A_163 : vector<16xf32>
      %add3A_449 = arith.addf %mul3A_446, %mul3A_448 : vector<16xf32>
      %reduce_sum3A_450 = arith.constant true
      %reduce_sum3A_451 = vector.broadcast %reduce_sum3A_450 : i1 to vector<16xi1>
      %reduce_sum3A_452 = tpu.scan <sum>, %add3A_449 masked %reduce_sum3A_451 : vector<16xf32>, vector<16xi1> -> vector<16xf32>
      %reduce_sum3A_453 = vector.extract %reduce_sum3A_452[15] : f32 from vector<16xf32>
      %eq3A_454 = arith.constant 9 : i32
      %eq3A_455 = vector.broadcast %eq3A_454 : i32 to vector<16xi32>
      %eq3A_456 = arith.cmpi eq, %iota3A, %eq3A_455 : vector<16xi32>
      %add3A_457 = vector.broadcast %reduce_sum3A_453 : f32 to vector<16xf32>
      %add3A_458 = arith.addf %select_n3A_430, %add3A_457 : vector<16xf32>
      %select_n3A_459 = arith.select %eq3A_456, %add3A_458, %select_n3A_430 : vector<16xi1>, vector<16xf32>
      %add3A_460 = arith.constant 10 : i32
      %add3A_461 = arith.addi %mul3A_172, %add3A_460 : i32
      %get3A_462 = arith.index_cast %add3A_461 : i32 to index
      %get3A_463 = arith.constant 0 : index
      %get3A_464 = tpu.vector_load %arg10[%get3A_462, %get3A_463] {strides = array<i32>} : memref<512x32xf32, #tpu.memory_space<vmem>>, vector<16xf32>,
      %get3A_465 = arith.index_cast %add3A_461 : i32 to index
      %get3A_466 = arith.constant 16 : index
      %get3A_467 = tpu.vector_load %arg10[%get3A_465, %get3A_466] {strides = array<i32>} : memref<512x32xf32, #tpu.memory_space<vmem>>, vector<16xf32>,
      %get3A_468 = arith.index_cast %add3A_461 : i32 to index
      %get3A_469 = arith.constant 0 : index
      %get3A_470 = tpu.vector_load %arg11[%get3A_468, %get3A_469] {strides = array<i32>} : memref<512x32xf32, #tpu.memory_space<vmem>>, vector<16xf32>,
      %get3A_471 = arith.index_cast %add3A_461 : i32 to index
      %get3A_472 = arith.constant 16 : index
      %get3A_473 = tpu.vector_load %arg11[%get3A_471, %get3A_472] {strides = array<i32>} : memref<512x32xf32, #tpu.memory_space<vmem>>, vector<16xf32>,
      %mul3A_474 = arith.mulf %get3A_464, %get3A_470 : vector<16xf32>
      %mul3A_475 = arith.mulf %mul3A_474, %get3A_161 : vector<16xf32>
      %mul3A_476 = arith.mulf %get3A_467, %get3A_473 : vector<16xf32>
      %mul3A_477 = arith.mulf %mul3A_476, %get3A_163 : vector<16xf32>
      %add3A_478 = arith.addf %mul3A_475, %mul3A_477 : vector<16xf32>
      %reduce_sum3A_479 = arith.constant true
      %reduce_sum3A_480 = vector.broadcast %reduce_sum3A_479 : i1 to vector<16xi1>
      %reduce_sum3A_481 = tpu.scan <sum>, %add3A_478 masked %reduce_sum3A_480 : vector<16xf32>, vector<16xi1> -> vector<16xf32>
      %reduce_sum3A_482 = vector.extract %reduce_sum3A_481[15] : f32 from vector<16xf32>
      %eq3A_483 = arith.constant 10 : i32
      %eq3A_484 = vector.broadcast %eq3A_483 : i32 to vector<16xi32>
      %eq3A_485 = arith.cmpi eq, %iota3A, %eq3A_484 : vector<16xi32>
      %add3A_486 = vector.broadcast %reduce_sum3A_482 : f32 to vector<16xf32>
      %add3A_487 = arith.addf %select_n3A_459, %add3A_486 : vector<16xf32>
      %select_n3A_488 = arith.select %eq3A_485, %add3A_487, %select_n3A_459 : vector<16xi1>, vector<16xf32>
      %add3A_489 = arith.constant 11 : i32
      %add3A_490 = arith.addi %mul3A_172, %add3A_489 : i32
      %get3A_491 = arith.index_cast %add3A_490 : i32 to index
      %get3A_492 = arith.constant 0 : index
      %get3A_493 = tpu.vector_load %arg10[%get3A_491, %get3A_492] {strides = array<i32>} : memref<512x32xf32, #tpu.memory_space<vmem>>, vector<16xf32>,
      %get3A_494 = arith.index_cast %add3A_490 : i32 to index
      %get3A_495 = arith.constant 16 : index
      %get3A_496 = tpu.vector_load %arg10[%get3A_494, %get3A_495] {strides = array<i32>} : memref<512x32xf32, #tpu.memory_space<vmem>>, vector<16xf32>,
      %get3A_497 = arith.index_cast %add3A_490 : i32 to index
      %get3A_498 = arith.constant 0 : index
      %get3A_499 = tpu.vector_load %arg11[%get3A_497, %get3A_498] {strides = array<i32>} : memref<512x32xf32, #tpu.memory_space<vmem>>, vector<16xf32>,
      %get3A_500 = arith.index_cast %add3A_490 : i32 to index
      %get3A_501 = arith.constant 16 : index
      %get3A_502 = tpu.vector_load %arg11[%get3A_500, %get3A_501] {strides = array<i32>} : memref<512x32xf32, #tpu.memory_space<vmem>>, vector<16xf32>,
      %mul3A_503 = arith.mulf %get3A_493, %get3A_499 : vector<16xf32>
      %mul3A_504 = arith.mulf %mul3A_503, %get3A_161 : vector<16xf32>
      %mul3A_505 = arith.mulf %get3A_496, %get3A_502 : vector<16xf32>
      %mul3A_506 = arith.mulf %mul3A_505, %get3A_163 : vector<16xf32>
      %add3A_507 = arith.addf %mul3A_504, %mul3A_506 : vector<16xf32>
      %reduce_sum3A_508 = arith.constant true
      %reduce_sum3A_509 = vector.broadcast %reduce_sum3A_508 : i1 to vector<16xi1>
      %reduce_sum3A_510 = tpu.scan <sum>, %add3A_507 masked %reduce_sum3A_509 : vector<16xf32>, vector<16xi1> -> vector<16xf32>
      %reduce_sum3A_511 = vector.extract %reduce_sum3A_510[15] : f32 from vector<16xf32>
      %eq3A_512 = arith.constant 11 : i32
      %eq3A_513 = vector.broadcast %eq3A_512 : i32 to vector<16xi32>
      %eq3A_514 = arith.cmpi eq, %iota3A, %eq3A_513 : vector<16xi32>
      %add3A_515 = vector.broadcast %reduce_sum3A_511 : f32 to vector<16xf32>
      %add3A_516 = arith.addf %select_n3A_488, %add3A_515 : vector<16xf32>
      %select_n3A_517 = arith.select %eq3A_514, %add3A_516, %select_n3A_488 : vector<16xi1>, vector<16xf32>
      %add3A_518 = arith.constant 12 : i32
      %add3A_519 = arith.addi %mul3A_172, %add3A_518 : i32
      %get3A_520 = arith.index_cast %add3A_519 : i32 to index
      %get3A_521 = arith.constant 0 : index
      %get3A_522 = tpu.vector_load %arg10[%get3A_520, %get3A_521] {strides = array<i32>} : memref<512x32xf32, #tpu.memory_space<vmem>>, vector<16xf32>,
      %get3A_523 = arith.index_cast %add3A_519 : i32 to index
      %get3A_524 = arith.constant 16 : index
      %get3A_525 = tpu.vector_load %arg10[%get3A_523, %get3A_524] {strides = array<i32>} : memref<512x32xf32, #tpu.memory_space<vmem>>, vector<16xf32>,
      %get3A_526 = arith.index_cast %add3A_519 : i32 to index
      %get3A_527 = arith.constant 0 : index
      %get3A_528 = tpu.vector_load %arg11[%get3A_526, %get3A_527] {strides = array<i32>} : memref<512x32xf32, #tpu.memory_space<vmem>>, vector<16xf32>,
      %get3A_529 = arith.index_cast %add3A_519 : i32 to index
      %get3A_530 = arith.constant 16 : index
      %get3A_531 = tpu.vector_load %arg11[%get3A_529, %get3A_530] {strides = array<i32>} : memref<512x32xf32, #tpu.memory_space<vmem>>, vector<16xf32>,
      %mul3A_532 = arith.mulf %get3A_522, %get3A_528 : vector<16xf32>
      %mul3A_533 = arith.mulf %mul3A_532, %get3A_161 : vector<16xf32>
      %mul3A_534 = arith.mulf %get3A_525, %get3A_531 : vector<16xf32>
      %mul3A_535 = arith.mulf %mul3A_534, %get3A_163 : vector<16xf32>
      %add3A_536 = arith.addf %mul3A_533, %mul3A_535 : vector<16xf32>
      %reduce_sum3A_537 = arith.constant true
      %reduce_sum3A_538 = vector.broadcast %reduce_sum3A_537 : i1 to vector<16xi1>
      %reduce_sum3A_539 = tpu.scan <sum>, %add3A_536 masked %reduce_sum3A_538 : vector<16xf32>, vector<16xi1> -> vector<16xf32>
      %reduce_sum3A_540 = vector.extract %reduce_sum3A_539[15] : f32 from vector<16xf32>
      %eq3A_541 = arith.constant 12 : i32
      %eq3A_542 = vector.broadcast %eq3A_541 : i32 to vector<16xi32>
      %eq3A_543 = arith.cmpi eq, %iota3A, %eq3A_542 : vector<16xi32>
      %add3A_544 = vector.broadcast %reduce_sum3A_540 : f32 to vector<16xf32>
      %add3A_545 = arith.addf %select_n3A_517, %add3A_544 : vector<16xf32>
      %select_n3A_546 = arith.select %eq3A_543, %add3A_545, %select_n3A_517 : vector<16xi1>, vector<16xf32>
      %add3A_547 = arith.constant 13 : i32
      %add3A_548 = arith.addi %mul3A_172, %add3A_547 : i32
      %get3A_549 = arith.index_cast %add3A_548 : i32 to index
      %get3A_550 = arith.constant 0 : index
      %get3A_551 = tpu.vector_load %arg10[%get3A_549, %get3A_550] {strides = array<i32>} : memref<512x32xf32, #tpu.memory_space<vmem>>, vector<16xf32>,
      %get3A_552 = arith.index_cast %add3A_548 : i32 to index
      %get3A_553 = arith.constant 16 : index
      %get3A_554 = tpu.vector_load %arg10[%get3A_552, %get3A_553] {strides = array<i32>} : memref<512x32xf32, #tpu.memory_space<vmem>>, vector<16xf32>,
      %get3A_555 = arith.index_cast %add3A_548 : i32 to index
      %get3A_556 = arith.constant 0 : index
      %get3A_557 = tpu.vector_load %arg11[%get3A_555, %get3A_556] {strides = array<i32>} : memref<512x32xf32, #tpu.memory_space<vmem>>, vector<16xf32>,
      %get3A_558 = arith.index_cast %add3A_548 : i32 to index
      %get3A_559 = arith.constant 16 : index
      %get3A_560 = tpu.vector_load %arg11[%get3A_558, %get3A_559] {strides = array<i32>} : memref<512x32xf32, #tpu.memory_space<vmem>>, vector<16xf32>,
      %mul3A_561 = arith.mulf %get3A_551, %get3A_557 : vector<16xf32>
      %mul3A_562 = arith.mulf %mul3A_561, %get3A_161 : vector<16xf32>
      %mul3A_563 = arith.mulf %get3A_554, %get3A_560 : vector<16xf32>
      %mul3A_564 = arith.mulf %mul3A_563, %get3A_163 : vector<16xf32>
      %add3A_565 = arith.addf %mul3A_562, %mul3A_564 : vector<16xf32>
      %reduce_sum3A_566 = arith.constant true
      %reduce_sum3A_567 = vector.broadcast %reduce_sum3A_566 : i1 to vector<16xi1>
      %reduce_sum3A_568 = tpu.scan <sum>, %add3A_565 masked %reduce_sum3A_567 : vector<16xf32>, vector<16xi1> -> vector<16xf32>
      %reduce_sum3A_569 = vector.extract %reduce_sum3A_568[15] : f32 from vector<16xf32>
      %eq3A_570 = arith.constant 13 : i32
      %eq3A_571 = vector.broadcast %eq3A_570 : i32 to vector<16xi32>
      %eq3A_572 = arith.cmpi eq, %iota3A, %eq3A_571 : vector<16xi32>
      %add3A_573 = vector.broadcast %reduce_sum3A_569 : f32 to vector<16xf32>
      %add3A_574 = arith.addf %select_n3A_546, %add3A_573 : vector<16xf32>
      %select_n3A_575 = arith.select %eq3A_572, %add3A_574, %select_n3A_546 : vector<16xi1>, vector<16xf32>
      %add3A_576 = arith.constant 14 : i32
      %add3A_577 = arith.addi %mul3A_172, %add3A_576 : i32
      %get3A_578 = arith.index_cast %add3A_577 : i32 to index
      %get3A_579 = arith.constant 0 : index
      %get3A_580 = tpu.vector_load %arg10[%get3A_578, %get3A_579] {strides = array<i32>} : memref<512x32xf32, #tpu.memory_space<vmem>>, vector<16xf32>,
      %get3A_581 = arith.index_cast %add3A_577 : i32 to index
      %get3A_582 = arith.constant 16 : index
      %get3A_583 = tpu.vector_load %arg10[%get3A_581, %get3A_582] {strides = array<i32>} : memref<512x32xf32, #tpu.memory_space<vmem>>, vector<16xf32>,
      %get3A_584 = arith.index_cast %add3A_577 : i32 to index
      %get3A_585 = arith.constant 0 : index
      %get3A_586 = tpu.vector_load %arg11[%get3A_584, %get3A_585] {strides = array<i32>} : memref<512x32xf32, #tpu.memory_space<vmem>>, vector<16xf32>,
      %get3A_587 = arith.index_cast %add3A_577 : i32 to index
      %get3A_588 = arith.constant 16 : index
      %get3A_589 = tpu.vector_load %arg11[%get3A_587, %get3A_588] {strides = array<i32>} : memref<512x32xf32, #tpu.memory_space<vmem>>, vector<16xf32>,
      %mul3A_590 = arith.mulf %get3A_580, %get3A_586 : vector<16xf32>
      %mul3A_591 = arith.mulf %mul3A_590, %get3A_161 : vector<16xf32>
      %mul3A_592 = arith.mulf %get3A_583, %get3A_589 : vector<16xf32>
      %mul3A_593 = arith.mulf %mul3A_592, %get3A_163 : vector<16xf32>
      %add3A_594 = arith.addf %mul3A_591, %mul3A_593 : vector<16xf32>
      %reduce_sum3A_595 = arith.constant true
      %reduce_sum3A_596 = vector.broadcast %reduce_sum3A_595 : i1 to vector<16xi1>
      %reduce_sum3A_597 = tpu.scan <sum>, %add3A_594 masked %reduce_sum3A_596 : vector<16xf32>, vector<16xi1> -> vector<16xf32>
      %reduce_sum3A_598 = vector.extract %reduce_sum3A_597[15] : f32 from vector<16xf32>
      %eq3A_599 = arith.constant 14 : i32
      %eq3A_600 = vector.broadcast %eq3A_599 : i32 to vector<16xi32>
      %eq3A_601 = arith.cmpi eq, %iota3A, %eq3A_600 : vector<16xi32>
      %add3A_602 = vector.broadcast %reduce_sum3A_598 : f32 to vector<16xf32>
      %add3A_603 = arith.addf %select_n3A_575, %add3A_602 : vector<16xf32>
      %select_n3A_604 = arith.select %eq3A_601, %add3A_603, %select_n3A_575 : vector<16xi1>, vector<16xf32>
      %add3A_605 = arith.constant 15 : i32
      %add3A_606 = arith.addi %mul3A_172, %add3A_605 : i32
      %get3A_607 = arith.index_cast %add3A_606 : i32 to index
      %get3A_608 = arith.constant 0 : index
      %get3A_609 = tpu.vector_load %arg10[%get3A_607, %get3A_608] {strides = array<i32>} : memref<512x32xf32, #tpu.memory_space<vmem>>, vector<16xf32>,
      %get3A_610 = arith.index_cast %add3A_606 : i32 to index
      %get3A_611 = arith.constant 16 : index
      %get3A_612 = tpu.vector_load %arg10[%get3A_610, %get3A_611] {strides = array<i32>} : memref<512x32xf32, #tpu.memory_space<vmem>>, vector<16xf32>,
      %get3A_613 = arith.index_cast %add3A_606 : i32 to index
      %get3A_614 = arith.constant 0 : index
      %get3A_615 = tpu.vector_load %arg11[%get3A_613, %get3A_614] {strides = array<i32>} : memref<512x32xf32, #tpu.memory_space<vmem>>, vector<16xf32>,
      %get3A_616 = arith.index_cast %add3A_606 : i32 to index
      %get3A_617 = arith.constant 16 : index
      %get3A_618 = tpu.vector_load %arg11[%get3A_616, %get3A_617] {strides = array<i32>} : memref<512x32xf32, #tpu.memory_space<vmem>>, vector<16xf32>,
      %mul3A_619 = arith.mulf %get3A_609, %get3A_615 : vector<16xf32>
      %mul3A_620 = arith.mulf %mul3A_619, %get3A_161 : vector<16xf32>
      %mul3A_621 = arith.mulf %get3A_612, %get3A_618 : vector<16xf32>
      %mul3A_622 = arith.mulf %mul3A_621, %get3A_163 : vector<16xf32>
      %add3A_623 = arith.addf %mul3A_620, %mul3A_622 : vector<16xf32>
      %reduce_sum3A_624 = arith.constant true
      %reduce_sum3A_625 = vector.broadcast %reduce_sum3A_624 : i1 to vector<16xi1>
      %reduce_sum3A_626 = tpu.scan <sum>, %add3A_623 masked %reduce_sum3A_625 : vector<16xf32>, vector<16xi1> -> vector<16xf32>
      %reduce_sum3A_627 = vector.extract %reduce_sum3A_626[15] : f32 from vector<16xf32>
      %eq3A_628 = arith.constant 15 : i32
      %eq3A_629 = vector.broadcast %eq3A_628 : i32 to vector<16xi32>
      %eq3A_630 = arith.cmpi eq, %iota3A, %eq3A_629 : vector<16xi32>
      %add3A_631 = vector.broadcast %reduce_sum3A_627 : f32 to vector<16xf32>
      %add3A_632 = arith.addf %select_n3A_604, %add3A_631 : vector<16xf32>
      %select_n3A_633 = arith.select %eq3A_630, %add3A_632, %select_n3A_604 : vector<16xi1>, vector<16xf32>
      %neg3A = arith.constant 0.000000e+00 : f32
      %neg3A_634 = vector.broadcast %neg3A : f32 to vector<16xf32>
      %neg3A_635 = arith.subf %neg3A_634, %select_n3A_633 : vector<16xf32>
      %exp3A = math.exp %neg3A_635 : vector<16xf32>
      %add3A_636 = arith.constant 1.000000e+00 : f32
      %add3A_637 = vector.broadcast %add3A_636 : f32 to vector<16xf32>
      %add3A_638 = arith.addf %add3A_637, %exp3A : vector<16xf32>
      %div3A = arith.constant 1.000000e+00 : f32
      %div3A_639 = vector.broadcast %div3A : f32 to vector<16xf32>
      %div3A_640 = arith.divf %div3A_639, %add3A_638 : vector<16xf32>
      %swap3A = arith.index_cast %mul3A_172 : i32 to index
      %swap3A_641 = tpu.vector_load %arg13[%swap3A] {strides = array<i32>} : memref<512xf32, #tpu.memory_space<vmem>>, vector<16xf32>,
      tpu.vector_store %arg13[%swap3A], %div3A_640 {strides = array<i32>} : memref<512xf32, #tpu.memory_space<vmem>>, vector<16xf32>,
    }
    %scan3A_169 = arith.constant 32 : i32
    "tpu.region"() ({
      %run_scoped3A = tpu.sem_alloc : memref<!tpu.dma_semaphore, #tpu.memory_space<semaphore_mem>>
      %dma_start3A_170 = tpu.memref_slice %arg7[%mul3A_2] : memref<16384xf32, #tpu.memory_space<hbm>> -> memref<512xf32, #tpu.memory_space<hbm>>
      %dma_start3A_171 = tpu.memref_slice %arg7[%mul3A_2] : memref<16384xf32, #tpu.memory_space<hbm>> -> memref<512xf32, #tpu.memory_space<hbm>>
      tpu.enqueue_dma source(%arg13 : memref<512xf32, #tpu.memory_space<vmem>>) target(%dma_start3A_171 : memref<512xf32, #tpu.memory_space<hbm>>) target_semaphore(%run_scoped3A : memref<!tpu.dma_semaphore, #tpu.memory_space<semaphore_mem>>)
      %dma_wait3A_172 = tpu.memref_slice %arg7[%mul3A_2] : memref<16384xf32, #tpu.memory_space<hbm>> -> memref<512xf32, #tpu.memory_space<hbm>>
      %dma_wait3A_173 = tpu.memref_slice %arg7[%mul3A_2] : memref<16384xf32, #tpu.memory_space<hbm>> -> memref<512xf32, #tpu.memory_space<hbm>>
      tpu.wait_dma2 semaphore(%run_scoped3A : memref<!tpu.dma_semaphore, #tpu.memory_space<semaphore_mem>>) src(%arg13 : memref<512xf32, #tpu.memory_space<vmem>>) dst(%dma_wait3A_173 : memref<512xf32, #tpu.memory_space<hbm>>)
      tpu.yield
    }) : () -> ()
    return
  }
}

</mosaic_0001>

<sc_bundles>
// kernel: kernel.3.cloned.1.call-start
scs
__scs_entry_jumppad:
0x0: {  	(pc) =	sbr.rel $0x88, $3  }
0x1: {  	(tag) =	ssettag $0x0;
	lr =	simm.s32 $0x1  }
0x2: {  	[smem:$0x3F9B] =	sst lr;
	_ =	strace $0xD0000000  }
0x3: {  	_ = 	snop  }
0x4: {  	_ = 	snop  }
0x5: {  	_ = 	snop  }
0x6: {  	_ = 	snop  }
0x7: {  	_ = 	snop  }
__scs_overlays_trampoline_lowered:
0x8: {  	[smem:$0x3FAA] =	sst s0  }
0x9: {  	[smem:$0x3FAB] =	sst s1  }
0xa: {  	[smem:$0x3FAC] =	sst s2  }
0xb: {  	[smem:$0x3FAD] =	sst s3  }
0xc: {  	[smem:$0x3FAE] =	sst s4  }
0xd: {  	[smem:$0x3FAF] =	sst s5  }
0xe: {  	[smem:$0x3FB0] =	sst s6  }
0xf: {  	[smem:$0x3FB1] =	sst s7  }
0x10: {  	[smem:$0x3FB2] =	sst s8  }
0x11: {  	[smem:$0x3FB3] =	sst s9;
	s0 =	simm.s32 @!p0 $0x0  }
0x12: {  	s1 =	sld [smem:$0x3F99];
	s0 =	simm.s32 @p0 $0x1  }
0x13: {  	[smem:$0x3FB4] =	sst s0;
	s0 =	simm.s32 @!p1 $0x0  }
0x14: {  	s2 =	sld [smem:$0x3F98];
	s0 =	simm.s32 @p1 $0x1  }
0x15: {  	[smem:$0x3FB5] =	sst s0;
	s0 =	simm.s32 @!p2 $0x0  }
0x16: {  	s3 =	sld [smem:$0x3FDB];
	s0 =	simm.s32 @p2 $0x1  }
0x17: {  	s4 =	simm.s32 $0x1BF5;
	[smem:$0x3FB7] =	sst s0  }
0x18: {  	s0 =	sld [smem:$0x3F9A];
	_ =	swait.ge [sflag:s4], $0x0  }
0x19: {  	s7 =	sld [smem:$0x3F9B]  }
0x1a: {  	s8 =	sadd.s32 $0xFFFFE003, lr  }
0x1b: {  	s9 =	sadd.s32 $0xFFFFFEF7, lr;
	s5 =	simm.s32 $0xFFFFFFFF;
	p2 =	slt.u32 s8, $0xFFFFF086  }
0x1c: {  	p1 =	slt.u32 s9, $0xF7A;
	s5 =	simm.s32 @!p2 $0x0  }
0x1d: {  	s5 =	simm.s32 @p1 $0x1;
	p0 =	seq.s32 s7, s2  }
0x1e: {  	s7 =	smul.u32 @!p0 $0xF7A, s2;
	p2 =	seq.s32 @!p0 s5, $0x0  }
0x1f: {  	s9 =	smul.u32 $0xF7A, s1;
	s8 =	simm.s32 @!p0 $0x1BF5;
	p2 =	por !p2, p0  }
0x20: {  	[sflag:s8] =	ssyncset.s32 @!p0 $0xFFFFF086;
	s6 =	sadd.s32 @!p0 s3, s7;
	s7 =	simm.s32 @!p0 $0x108  }
0x21: {  	s3 =	sadd.s32 s3, s9;
	s6 =	sadd.s32 @!p0 $0x88, s6;
	s7 =	simm.s32 @p2 $0x1082  }
0x22: {  	[simem:s7], [sflag:s8] =	dma.local @!p0 [hbm:s6], $0xF7A  }
0x23: {  	s9 =	sor.u32 $0xD0000000, s2;
	s6 =	simm.s32 $0x108;
	_ =	swait.ge @!p0 [sflag:s8], $0x0  }
0x24: {  	s3 =	sadd.s32 $0x88, s3;
	s6 =	simm.s32 @!p1 $0x1082;
	[sflag:s4] =	ssyncset.s32 $0xFFFFF086  }
0x25: {  	[simem:s6], [sflag:s4] =	dma.local [hbm:s3], $0xF7A  }
0x26: {  	[smem:$0x3F9B] =	sst s1;
	(tag) =	ssettag s2;
	_ =	strace s9  }
0x27: {  	s1 =	sld [smem:$0x3FAB]  }
0x28: {  	s2 =	sld [smem:$0x3FAC]  }
0x29: {  	s4 =	sld [smem:$0x3FAE]  }
0x2a: {  	p0 =	seq.s32 s5, $0x0;
	s5 =	sld [smem:$0x3FAF]  }
0x2b: {  	s6 =	sld [smem:$0x3FB0]  }
0x2c: {  	s7 =	sld [smem:$0x3FB1]  }
0x2d: {  	s3 =	simm.s32 $0x108;
	s8 =	sld [smem:$0x3FB2]  }
0x2e: {  	s3 =	simm.s32 @!p0 $0x1082;
	s9 =	sld [smem:$0x3FB3]  }
0x2f: {  	lr =	sadd.s32 s0, s3;
	s0 =	sld [smem:$0x3FAA]  }
0x30: {  	s3 =	sld [smem:$0x3FAD]  }
0x31: {  	[smem:$0x3FB6] =	sst s10  }
0x32: {  	s10 =	sld [smem:$0x3FB4];
	_ =	sdelay $0x3  }
0x33: {  	p0 =	seq.s32 s10, $0x1;
	s10 =	sld [smem:$0x3FB6];
	_ =	sdelay $0x3  }
0x34: {  	[smem:$0x3FB6] =	sst s10  }
0x35: {  	s10 =	sld [smem:$0x3FB5];
	_ =	sdelay $0x3  }
0x36: {  	p1 =	seq.s32 s10, $0x1;
	s10 =	sld [smem:$0x3FB6];
	_ =	sdelay $0x3  }
0x37: {  	[smem:$0x3FB6] =	sst s10  }
0x38: {  	s10 =	sld [smem:$0x3FB7]  }
0x39: {  	_ = 	snop;
	(pc) =	sbr.ind lr, $3  }
0x3a: {  	_ = 	snop  }
0x3b: {  	_ = 	snop  }
0x3c: {  	p2 =	seq.s32 s10, $0x1;
	s10 =	sld [smem:$0x3FB6]  }
0x3d: {  	_ =	shalt  }
0x3e: {  	_ =	shalt  }
0x3f: {  	_ =	shalt  }
0x40: {  	_ =	shalt  }
0x41: {  	_ =	shalt  }
0x42: {  	_ =	shalt  }
0x43: {  	_ =	shalt  }
0x44: {  	_ =	shalt  }
0x45: {  	_ =	shalt  }
0x46: {  	_ =	shalt  }
0x47: {  	_ =	shalt  }
0x48: {  	_ =	shalt  }
0x49: {  	_ =	shalt  }
0x4a: {  	_ =	shalt  }
0x4b: {  	_ =	shalt  }
0x4c: {  	_ =	shalt  }
0x4d: {  	_ =	shalt  }
0x4e: {  	_ =	shalt  }
0x4f: {  	_ =	shalt  }
0x50: {  	_ =	shalt  }
0x51: {  	_ =	shalt  }
0x52: {  	_ =	shalt  }
0x53: {  	_ =	shalt  }
0x54: {  	_ =	shalt  }
0x55: {  	_ =	shalt  }
0x56: {  	_ =	shalt  }
0x57: {  	_ =	shalt  }
0x58: {  	_ =	shalt  }
0x59: {  	_ =	shalt  }
0x5a: {  	_ =	shalt  }
0x5b: {  	_ =	shalt  }
0x5c: {  	_ =	shalt  }
0x5d: {  	_ =	shalt  }
0x5e: {  	_ =	shalt  }
0x5f: {  	_ =	shalt  }
0x60: {  	_ =	shalt  }
0x61: {  	_ =	shalt  }
0x62: {  	_ =	shalt  }
0x63: {  	_ =	shalt  }
0x64: {  	_ =	shalt  }
0x65: {  	_ =	shalt  }
0x66: {  	_ =	shalt  }
0x67: {  	_ =	shalt  }
0x68: {  	_ =	shalt  }
0x69: {  	_ =	shalt  }
0x6a: {  	_ =	shalt  }
0x6b: {  	_ =	shalt  }
0x6c: {  	_ =	shalt  }
0x6d: {  	_ =	shalt  }
0x6e: {  	_ =	shalt  }
0x6f: {  	_ =	shalt  }
0x70: {  	_ =	shalt  }
0x71: {  	_ =	shalt  }
0x72: {  	_ =	shalt  }
0x73: {  	_ =	shalt  }
0x74: {  	_ =	shalt  }
0x75: {  	_ =	shalt  }
0x76: {  	_ =	shalt  }
0x77: {  	_ =	shalt  }
0x78: {  	_ =	shalt  }
0x79: {  	_ =	shalt  }
0x7a: {  	_ =	shalt  }
0x7b: {  	_ =	shalt  }
0x7c: {  	_ =	shalt  }
0x7d: {  	_ =	shalt  }
0x7e: {  	_ =	shalt  }
0x7f: {  	_ =	shalt  }
0x80: {  	_ =	shalt  }
0x81: {  	_ =	shalt  }
0x82: {  	_ =	shalt  }
0x83: {  	_ =	shalt  }
0x84: {  	_ =	shalt  }
0x85: {  	_ =	shalt  }
0x86: {  	_ =	shalt  }
0x87: {  	_ =	shalt  }
.Lfunc_end0:
.L_simem_size_0:
called_computation_lowered:
.L_overlay_start_0:
0x88: {  	s2 =	sld [smem:$0x3FD9]  }
0x89: {  	s3 =	sld [smem:$0x3FFE];
	_ =	sdelay $0x1  }
0x8a: {  	s1 =	srdreg.scid  }
0x8b: {  	s0 =	sand.u32 $0x1, s1  }
0x8c: {  	s17 =	sshll.u32 s0, $0xA;
	s2 =	sadd.s32 s3, s2  }
0x8d: {  	s2 =	sadd.s32 s2, s17  }
0x8e: {  	[smem:$0x3FC2] =	sst s2  }
0x8f: {  	_ = 	snop  }
0x90: {  	s2 =	sld [smem:$0x3FC9]  }
0x91: {  	s18 =	sld [smem:$0x3FC8]  }
0x92: {  	s4 =	sld [smem:$0x3FD0];
	(tm) =	ssettm $0x1  }
0x93: {  	s5 =	sld [smem:$0x3FFB];
	_ =	sdelay $0x3  }
0x94: {  	_ =	strace s5  }
0x95: {  	s5 =	sld [smem:$0x3FFC];
	_ =	sdelay $0x3  }
0x96: {  	_ =	strace s5  }
0x97: {  	s5 =	sld [smem:$0x3FFD];
	_ =	sdelay $0x3  }
0x98: {  	_ =	strace s5  }
0x99: {  	_ =	strace $0x8FFFFFFF  }
0x9a: {  	s19 =	sld [smem:$0x3FDB];
	_ =	sdelay $0x1  }
0x9b: {  	s6 =	simm.s32 $_scs_section_size  }
0x9c: {  	s7 =	simm.s32 $_size__tile_overlayer_lowered;
	s8 =	simm.s32 $_tile_overlayer_lowered  }
0x9d: {  	s22 =	simm.s32 $0x1BFF;
	s21 =	sshll.u32 s8, $0x1;
	s5 =	sadd.s32 s6, s19  }
0x9e: {  	s9 =	simm.s32 $0x0;
	s20 =	sshll.u32 s7, $0x1;
	s7 =	sadd.s32 s21, s5  }
0x9f: {  	[timem:s9], [sflag:s22] =	dma.local [hbm:s7], s20  }
0xa0: {  	_ =	swait.ge [sflag:s22], s20  }
0xa1: {  	s6 =	ssub.s32 $0x0, s20;
	[sflag:s22] =	ssyncset.done $0x0  }
0xa2: {  	[sflag:s22] =	ssyncadd.s32 s6;
	_ =	sdelay $0x1  }
0xa3: {  	s23 =	simm.s32 $0x1B8B  }
0xa4: {  	_ =	swait.ge [sflag:s23], $0x1  }
0xa5: {  	[sflag:s23] =	ssyncset.done $0x0  }
0xa6: {  	s25 =	simm.s32 $0x1B8E;
	s24 =	sld [smem:$0x3FFE];
	[sflag:s23] =	ssyncadd.s32 $0xFFFFFFFF  }
0xa7: {  	s26 =	simm.s32 $execute0_lowered;
	[smem:$0x3FD2] =	sst s25  }
0xa8: {  	s7 =	sshll.u32 s26, $0x1;
	_ =	strace $0x80000046;
	[dreg:$0x1] =	wrdreg $0xFFFFFFFF  }
0xa9: {  	s28 =	simm.s32 $_size_execute0_lowered;
	s5 =	sadd.s32 s5, s7;
	[dreg:$0x0] =	wrdreg $0x0  }
0xaa: {  	s7 =	sshll.u32 s28, $0x1;
	[dreg:$0x2] =	wrdreg s5  }
0xab: {  	[dreg:$0x3] =	wrdreg s7  }
0xac: {  	[dreg:$0x4] =	wrdreg $0xC0  }
0xad: {  	_ =	task [dreg:s9], $0x5FFFF  }
0xae: {  	[dreg:$0x1] =	wrdreg $0xFFFFFFFF  }
0xaf: {  	[dreg:$0x0] =	wrdreg $0x60  }
0xb0: {  	[dreg:$0x2] =	wrdreg s2  }
0xb1: {  	[dreg:$0x3] =	wrdreg s18  }
0xb2: {  	[dreg:$0x4] =	wrdreg s24  }
0xb3: {  	[dreg:$0x5] =	wrdreg s4  }
0xb4: {  	[dreg:$0x6] =	wrdreg $0x9  }
0xb5: {  	_ =	task.clear_ibuf [dreg:s9], $0x7FFFF;
	_ =	strace $0x90000046  }
0xb6: {  	s29 =	simm.s32 $0x9;
	_ =	strace $0x80000048  }
0xb7: {  	_ =	swait.ge [sflag:s29], $0x1  }
0xb8: {  	[sflag:s29] =	ssyncadd.s32 $0xFFFFFFFF  }
0xb9: {  	_ =	strace $0x90000048  }
0xba: {  	_ =	sfence  }
0xbb: {  	s30 =	sld [smem:$0x0];
	_ =	sdelay $0x2  }
0xbc: {  	s31 =	sshll.u32 s1, $0xD;
	s1 =	sshrl.u32 s1, $0x2  }
0xbd: {  	s3 =	sand.u32 $0x4000, s31;
	s1 =	sadd.s32 s1, s30  }
0xbe: {  	s0 =	sor.u32 s3, s0;
	s1 =	sshll.u32 s1, $0x11  }
0xbf: {  	s0 =	sor.u32 s1, s0  }
0xc0: {  	s0 =	sadd.s32 $0x8F2B, s0  }
0xc1: {  	[sflag:s0] =	ssyncadd.remote.s32 $0x1  }
0xc2: {  	_ =	sfence.sel $0xFFFF  }
0xc3: {  	[dreg:$0x0] =	wrdreg $0xFFFFFFFF;
	(pc) =	sbr.abs _section_cstart, $3  }
0xc4: {  	[dreg:$0x1] =	wrdreg $0xFFFFFFFF  }
0xc5: {  	_ =	task.clear_ibuf [dreg:s9], $0x2FFFF;
	_ =	strace $0x9FFFFFFF  }
0xc6: {  	(tm) =	ssettm $0x7FFFFFFF  }
0xc7: {  	_ =	shalt  }
tec
execute0_lowered:
.L_overlay_start_1:
0x0: {  	(tag) =	ssettag $0x1  }
0x1: {  	s0 =	rddreg [dreg:$0x0]  }
0x2: {  	s2 =	rddreg [dreg:$0x1]  }
0x3: {  	s5 =	rddreg [dreg:$0x2]  }
0x4: {  	s8 =	rddreg [dreg:$0x3]  }
0x5: {  	s1 =	simm.s32 $0x0;
	s4 =	srdreg.scid;
	s10 =	stileid.u32  }
0x6: {  	s11 =	simm.s32 $0x200;
	s12 =	simm.s32 $0x8400;
	s13 =	simm.s32 $0x80  }
0x7: {  	s14 =	simm.s32 $0x400;
	s15 =	simm.s32 $0x1400;
	s16 =	simm.s32 $0x100  }
0x8: {  	s17 =	simm.s32 $0x2400;
	s18 =	simm.s32 $0x180;
	s19 =	simm.s32 $0x3400  }
0x9: {  	s20 =	simm.s32 $0x4400;
	s21 =	simm.s32 $0x280;
	s22 =	simm.s32 $0x5400  }
0xa: {  	vm0 =	vmmov $0x1;
	s23 =	simm.s32 $0x300;
	s24 =	simm.s32 $0x6400;
	s25 =	simm.s32 $0x380  }
0xb: {  	vm1 =	vcmask $0x30C;
	vm2 =	vcmask $0xF0C;
	vm3 =	vcmask $0x714;
	s26 =	simm.s32 $0x7400;
	s28 =	simm.s32 $0x1;
	s29 =	simm.s32 $0x8430  }
0xc: {  	vm4 =	vcmask $0xF18;
	vm5 =	vcmask $0x131C;
	vm6 =	vcmask $0x1F1C;
	s30 =	simm.s32 $0x0;
	[smem:$0x7FF] =	sst s1;
	s3 =	sadd.s32 $0x1313400, s5  }
0xd: {  	vm7 =	vcmask $0x1724;
	vm8 =	vcmask $0x1F28;
	vm9 =	vcmask $0x232C;
	s6 =	sand.u32 $0x1, s4;
	s4 =	sadd.s32 $0xF42A00, s5;
	s10 =	sshll.u32 s10, $0x7  }
0xe: {  	vm10 =	vcmask $0x2F2C;
	vm11 =	vcmask $0x2734;
	vm12 =	vcmask $0x2F38;
	s5 =	sadd.s32 $0x600, s5;
	s7 =	ssub.s32 $0x2, s6;
	s6 =	sshll.u32 s6, $0x6  }
0xf: {  	vm13 =	vcmask $0x333C;
	vm14 =	vmmov $0x3fff;
	vm15 =	vmmov $0x7fff;
	_ =	strace $0x80000047;
	s9 =	sshrl.u32 s7, $0x1;
	s10 =	sor.u32 s6, s10  }
0x10: {  	vm2 =	vmor vm3, vm2;
	vm3 =	vcmask $0xB14;
	vm6 =	vmor vm7, vm6;
	s9 =	ssub.s32 s7, s9;
	s6 =	sadd.s32 s0, s10;
	s7 =	sadd.s32 s2, s10  }
0x11: {  	vm7 =	vcmask $0x1B24;
	vm10 =	vmor vm11, vm10;
	vm11 =	vcmask $0x2B34;
	s8 =	sadd.s32 s8, s10;
	s10 =	simm.s32 $0x2;
	s9 =	smax.u32 s9, $0x1  }
.LBB2_1:
0x12: {  	[tilespmem:s1], [sflag:$0x2] =	stream.linear.gather [hbm4b:s6+s1], $0x200, $0x38;
	[tilespmem:$0x8630] =	vst v63  }
0x13: {  	_ =	swait.ge [sflag:s10], $0x200  }
0x14: {  	[sflag:s10] =	ssyncset.done $0x0  }
0x15: {  	[sflag:s10] =	ssyncadd.s32 $0xFFFFFE00  }
0x16: {  	[tilespmem:s11], [sflag:$0x2] =	stream.linear.gather [hbm4b:s7+s1], $0x200, $0x38;
	[tilespmem:$0x8630] =	vst v63  }
0x17: {  	_ =	swait.ge [sflag:s10], $0x200  }
0x18: {  	[sflag:s10] =	ssyncset.done $0x0  }
0x19: {  	[sflag:s10] =	ssyncadd.s32 $0xFFFFFE00  }
0x1a: {  	[tilespmem:s12], [sflag:$0x2] =	stream.linear.gather [hbm4b:s5+s1], $0x30, $0x38;
	[tilespmem:$0x8630] =	vst v63  }
0x1b: {  	_ =	swait.ge [sflag:s10], $0x30  }
0x1c: {  	[sflag:s10] =	ssyncset.done $0x0  }
0x1d: {  	[sflag:s10] =	ssyncadd.s32 $0xFFFFFFD0  }
0x1e: {  	[tilespmem:s14], [sflag:$0x1] =	stream.indirect.gather [hbm4b:s3+s13], $0x20, s1, s13, $0xb8;
	[tilespmem:$0x8630] =	vst v63  }
0x1f: {  	_ = 	snop  }
0x20: {  	[tilespmem:s15], [sflag:$0x1] =	stream.indirect.gather [hbm4b:s3+s13], $0x20, s13, s13, $0xb8;
	[tilespmem:$0x8630] =	vst v63  }
0x21: {  	_ = 	snop  }
0x22: {  	[tilespmem:s17], [sflag:$0x1] =	stream.indirect.gather [hbm4b:s3+s13], $0x20, s16, s13, $0xb8;
	[tilespmem:$0x8630] =	vst v63  }
0x23: {  	_ = 	snop  }
0x24: {  	[tilespmem:s19], [sflag:$0x1] =	stream.indirect.gather [hbm4b:s3+s13], $0x20, s18, s13, $0xb8;
	[tilespmem:$0x8630] =	vst v63  }
0x25: {  	_ = 	snop  }
0x26: {  	[tilespmem:s20], [sflag:$0x1] =	stream.indirect.gather [hbm4b:s4+s13], $0x20, s11, s13, $0xb8;
	[tilespmem:$0x8630] =	vst v63  }
0x27: {  	_ = 	snop  }
0x28: {  	[tilespmem:s22], [sflag:$0x1] =	stream.indirect.gather [hbm4b:s4+s13], $0x20, s21, s13, $0xb8;
	[tilespmem:$0x8630] =	vst v63  }
0x29: {  	_ = 	snop  }
0x2a: {  	[tilespmem:s24], [sflag:$0x1] =	stream.indirect.gather [hbm4b:s4+s13], $0x20, s23, s13, $0xb8;
	[tilespmem:$0x8630] =	vst v63  }
0x2b: {  	_ = 	snop  }
0x2c: {  	[tilespmem:s26], [sflag:$0x1] =	stream.indirect.gather [hbm4b:s4+s13], $0x20, s25, s13, $0xb8;
	[tilespmem:$0x8630] =	vst v63  }
0x2d: {  	_ =	swait.ge [sflag:s28], $0x1000  }
0x2e: {  	[sflag:s28] =	ssyncset.done $0x0  }
0x2f: {  	[sflag:s28] =	ssyncadd.s32 $0xFFFFF000  }
0x30: {  	_ =	swait.ge [sflag:s28], $0x1000  }
0x31: {  	[sflag:s28] =	ssyncset.done $0x0  }
0x32: {  	[sflag:s28] =	ssyncadd.s32 $0xFFFFF000  }
0x33: {  	_ =	swait.ge [sflag:s28], $0x1000  }
0x34: {  	[sflag:s28] =	ssyncset.done $0x0  }
0x35: {  	[sflag:s28] =	ssyncadd.s32 $0xFFFFF000  }
0x36: {  	_ =	swait.ge [sflag:s28], $0x1000  }
0x37: {  	[sflag:s28] =	ssyncset.done $0x0  }
0x38: {  	[sflag:s28] =	ssyncadd.s32 $0xFFFFF000  }
0x39: {  	_ =	swait.ge [sflag:s28], $0x1000  }
0x3a: {  	[sflag:s28] =	ssyncset.done $0x0  }
0x3b: {  	[sflag:s28] =	ssyncadd.s32 $0xFFFFF000  }
0x3c: {  	_ =	swait.ge [sflag:s28], $0x1000  }
0x3d: {  	[sflag:s28] =	ssyncset.done $0x0  }
0x3e: {  	[sflag:s28] =	ssyncadd.s32 $0xFFFFF000  }
0x3f: {  	_ =	swait.ge [sflag:s28], $0x1000  }
0x40: {  	[sflag:s28] =	ssyncset.done $0x0  }
0x41: {  	[sflag:s28] =	ssyncadd.s32 $0xFFFFF000  }
0x42: {  	_ =	swait.ge [sflag:s28], $0x1000  }
0x43: {  	[sflag:s28] =	ssyncset.done $0x0  }
0x44: {  	[sflag:s28] =	ssyncadd.s32 $0xFFFFF000  }
0x45: {  	v0 =	vld [tilespmem:$0x8400]  }
0x46: {  	v1 =	vld [tilespmem:$0x8410]  }
0x47: {  	s31 =	simm.s32 $0x8430;
	s0 =	simm.s32 $0x0;
	v2 =	vld [tilespmem:$0x8420]  }
.LBB2_2:
0x48: {  	s2 =	sshra.s32 s0, $0x2  }
0x49: {  	v3 =	vld [tilespmem:s2+$0x400]  }
0x4a: {  	v4 =	vld [tilespmem:s2+$0x410]  }
0x4b: {  	v5 =	vld [tilespmem:s2+$0x4400]  }
0x4c: {  	v6 =	vld [tilespmem:s2+$0x4410]  }
0x4d: {  	v7 =	vld [tilespmem:s2+$0x420]  }
0x4e: {  	v8 =	vld [tilespmem:s2+$0x430]  }
0x4f: {  	v9 =	vld [tilespmem:s2+$0x4420]  }
0x50: {  	v10 =	vld [tilespmem:s2+$0x4430]  }
0x51: {  	v11 =	vld [tilespmem:s2+$0x440]  }
0x52: {  	v12 =	vld [tilespmem:s2+$0x450]  }
0x53: {  	v13 =	vld [tilespmem:s2+$0x4440]  }
0x54: {  	v14 =	vld [tilespmem:s2+$0x4450]  }
0x55: {  	v15 =	vld [tilespmem:s2+$0x460]  }
0x56: {  	v16 =	vld [tilespmem:s2+$0x470]  }
0x57: {  	v17 =	vld [tilespmem:s2+$0x4460]  }
0x58: {  	v18 =	vld [tilespmem:s2+$0x4470]  }
0x59: {  	v19 =	vld [tilespmem:s2+$0x480]  }
0x5a: {  	v20 =	vld [tilespmem:s2+$0x490]  }
0x5b: {  	v21 =	vld [tilespmem:s2+$0x4480]  }
0x5c: {  	v22 =	vld [tilespmem:s2+$0x4490]  }
0x5d: {  	v23 =	vld [tilespmem:s2+$0x4A0]  }
0x5e: {  	v24 =	vld [tilespmem:s2+$0x4B0]  }
0x5f: {  	v48 =	vld [tilespmem:s2+$0x44A0]  }
0x60: {  	v49 =	vld [tilespmem:s2+$0x44B0]  }
0x61: {  	v25 =	vld [tilespmem:s2+$0x4C0]  }
0x62: {  	v26 =	vld [tilespmem:s2+$0x4D0]  }
0x63: {  	v50 =	vld [tilespmem:s2+$0x44C0]  }
0x64: {  	v27 =	vld [tilespmem:s2+$0x44D0]  }
0x65: {  	v28 =	vld [tilespmem:s2+$0x4F0]  }
0x66: {  	v30 =	vld [tilespmem:s2+$0x44F0]  }
0x67: {  	v31 =	vld [tilespmem:s2+$0x500]  }
0x68: {  	v32 =	vld [tilespmem:s2+$0x510]  }
0x69: {  	v33 =	vld [tilespmem:s2+$0x4500]  }
0x6a: {  	v34 =	vld [tilespmem:s2+$0x4510]  }
0x6b: {  	v35 =	vld [tilespmem:s2+$0x520]  }
0x6c: {  	v36 =	vld [tilespmem:s2+$0x530]  }
0x6d: {  	v51 =	vld [tilespmem:s2+$0x4520]  }
0x6e: {  	v52 =	vld [tilespmem:s2+$0x4530];
	v3 =	vmul.f32 v5, v3;
	v4 =	vmul.f32 v6, v4  }
0x6f: {  	v53 =	vld [tilespmem:s2+$0x540];
	v7 =	vmul.f32 v9, v7;
	v8 =	vmul.f32 v10, v8  }
0x70: {  	v54 =	vld [tilespmem:s2+$0x550];
	v11 =	vmul.f32 v13, v11;
	v12 =	vmul.f32 v14, v12  }
0x71: {  	v55 =	vld [tilespmem:s2+$0x4540];
	v15 =	vmul.f32 v17, v15;
	v16 =	vmul.f32 v18, v16  }
0x72: {  	v56 =	vld [tilespmem:s2+$0x4550];
	v19 =	vmul.f32 v21, v19;
	v20 =	vmul.f32 v22, v20  }
0x73: {  	v57 =	vld [tilespmem:s2+$0x560];
	v5 =	vmul.f32 v48, v23;
	v6 =	vmul.f32 v49, v24  }
0x74: {  	v59 =	vld [tilespmem:s2+$0x4560];
	v63 =	vmul.f32 v27, v26;
	v40 =	vmul.f32 v30, v28  }
0x75: {  	v29 =	vld [tilespmem:s2+$0x44E0];
	v42 =	vmul.f32 v33, v31;
	v45 =	vmul.f32 v34, v32  }
0x76: {  	v60 =	vld [tilespmem:s2+$0x4570];
	v9 =	vmul.f32 v51, v35;
	v10 =	vmul.f32 v52, v36  }
0x77: {  	v62 =	vld [tilespmem:s2+$0x580];
	v51 =	vmul.f32 v55, v53;
	v54 =	vmul.f32 v56, v54  }
0x78: {  	v38 =	vld [tilespmem:s2+$0x590];
	v3 =	vmul.f32 v3, v0;
	v4 =	vmul.f32 v4, v1  }
0x79: {  	v39 =	vld [tilespmem:s2+$0x4580];
	v56 =	vmul.f32 v59, v57;
	v7 =	vmul.f32 v7, v0  }
0x7a: {  	v41 =	vld [tilespmem:s2+$0x4590];
	v8 =	vmul.f32 v8, v1;
	v11 =	vmul.f32 v11, v0;
	v3 =	vadd.f32 v4, v3  }
0x7b: {  	v43 =	vld [tilespmem:s2+$0x5A0];
	v12 =	vmul.f32 v12, v1;
	v15 =	vmul.f32 v15, v0  }
0x7c: {  	v22 =	vld [tilespmem:s2+$0x570];
	v16 =	vmul.f32 v16, v1;
	v58 =	vmul.f32 v19, v0;
	v7 =	vadd.f32 v8, v7;
	(xrf2) =	vadd.scan.msk.f32 $0xffff, v3  }
0x7d: {  	v48 =	vld [tilespmem:s2+$0x45A0];
	v20 =	vmul.f32 v20, v1;
	v5 =	vmul.f32 v5, v0;
	v61 =	vadd.f32 v12, v11  }
0x7e: {  	v6 =	vmul.f32 v6, v1;
	v44 =	vmul.f32 v40, v1;
	v3 =	vld [tilespmem:s2+$0x4E0];
	(xrf2) =	vadd.scan.msk.f32 $0xffff, v7  }
0x7f: {  	v52 =	vld [tilespmem:s2+$0x5C0];
	v47 =	vmul.f32 v42, v0;
	v49 =	vmul.f32 v45, v1;
	(xrf2) =	vadd.scan.msk.f32 $0xffff, v61  }
0x80: {  	v59 =	vld [tilespmem:s2+$0x45C0];
	v9 =	vmul.f32 v9, v0;
	v53 =	vmul.f32 v10, v1  }
0x81: {  	v28 =	vld [tilespmem:s2+$0x5E0];
	v31 =	vmul.f32 v51, v0;
	v10 =	vmul.f32 v54, v1;
	v15 =	vadd.f32 v16, v15  }
0x82: {  	v30 =	vld [tilespmem:s2+$0x45E0];
	v32 =	vmul.f32 v56, v0;
	v4 =	vmul.f32 v50, v25  }
0x83: {  	v12 =	vmul.f32 v63, v1;
	v8 =	vadd.f32 v20, v58;
	(xrf2) =	vadd.scan.msk.f32 $0xffff, v15;
	v3 =	vmul.f32 v29, v3  }
0x84: {  	v46 =	vld [tilespmem:s2+$0x5B0];
	v5 =	vadd.f32 v6, v5;
	v25 =	vmul.f32 v41, v38;
	v4 =	vmul.f32 v4, v0  }
0x85: {  	v50 =	vld [tilespmem:s2+$0x45B0];
	v58 =	vmul.f32 v60, v22;
	(xrf2) =	vadd.scan.msk.f32 $0xffff, v8;
	v3 =	vmul.f32 v3, v0  }
0x86: {  	v27 =	vmul.f32 v48, v43;
	v35 =	vmul.f32 v59, v52;
	v4 =	vadd.f32 v12, v4;
	v37, _, _ =	vpop (xrf2);
	(xrf2) =	vadd.scan.msk.f32 $0xffff, v5  }
0x87: {  	v55 =	vld [tilespmem:s2+$0x5D0];
	v40 =	vmul.f32 v30, v28;
	v7 =	vmul.f32 v39, v62;
	v3 =	vadd.f32 v44, v3  }
0x88: {  	v6 =	vadd.f32 v49, v47;
	v38 =	vmul.f32 v25, v1;
	v62 =	vld [tilespmem:s2+$0x45D0];
	v33 =	vmul.f32 v58, v1;
	v57, _, _ =	vpop (xrf2);
	(xrf2) =	vadd.scan.msk.f32 $0xffff, v4  }
0x89: {  	v60 =	vadd.f32 v53, v9;
	v34 =	vmul.f32 v7, v0;
	v37 =	vbroadcast v37, $0xF;
	v26, _, _ =	vpop (xrf2);
	(xrf2) =	vadd.scan.msk.f32 $0xffff, v3  }
0x8a: {  	v43 =	vmul.f32 v27, v0;
	v15 =	vmul.f32 v50, v46;
	v12 =	vadd.f32 v33, v32  }
0x8b: {  	v36 =	vld [tilespmem:s2+$0x5F0];
	v7 =	vmul.f32 v35, v0;
	v41 =	vadd.f32 v38, v34;
	v61 =	vbroadcast v57, $0xF;
	(xrf2) =	vadd.scan.msk.f32 $0xffff, v6  }
0x8c: {  	v39 =	vld [tilespmem:s2+$0x45F0];
	v50 =	vmul.f32 v40, v0;
	v4 =	vadd.f32 v10, v31;
	v63 =	vadd.f32 v37, v2;
	(xrf2) =	vadd.scan.msk.f32 $0xffff, v60  }
0x8d: {  	v9 =	vmul.f32 v62, v55;
	v17 =	vbroadcast v26, $0xF;
	v8 =	vadd.f32 v61, v2;
	v37, _, _ =	vpop (xrf2)  }
0x8e: {  	v15 =	vmul.f32 v15, v1;
	v3 =	vsel vm0, v63, v2;
	(xrf2) =	vadd.scan.msk.f32 $0xffff, v4;
	v5 =	vbroadcast v37, $0xF  }
0x8f: {  	v9 =	vmul.f32 v9, v1;
	v8 =	vsel vm1, v3, v8;
	v3 =	vadd.f32 v17, v3;
	v42, _, _ =	vpop (xrf2);
	(xrf2) =	vadd.scan.msk.f32 $0xffff, v12  }
0x90: {  	v10 =	vadd.f32 v15, v43;
	v6 =	vbroadcast v42, $0xF;
	v5 =	vadd.f32 v5, v8;
	v44, _, _ =	vpop (xrf2)  }
0x91: {  	v46 =	vmul.f32 v39, v36;
	v3 =	vsel vm2, v8, v3;
	(xrf2) =	vadd.scan.msk.f32 $0xffff, v41;
	v45 =	vbroadcast v44, $0xF  }
0x92: {  	v7 =	vadd.f32 v9, v7;
	v6 =	vadd.f32 v6, v8;
	v3 =	vsel vm3, v3, v5;
	v47, _, _ =	vpop (xrf2);
	(xrf2) =	vadd.scan.msk.f32 $0xffff, v10  }
0x93: {  	v5 =	vmul.f32 v46, v1;
	v48 =	vbroadcast v47, $0xF;
	v49, _, _ =	vpop (xrf2);
	v4 =	vadd.f32 v45, v3  }
0x94: {  	(xrf2) =	vadd.scan.msk.f32 $0xffff, v7;
	v3 =	vsel vm4, v3, v6;
	v51 =	vbroadcast v49, $0xF  }
0x95: {  	v5 =	vadd.f32 v5, v50;
	v52, _, _ =	vpop (xrf2);
	v4 =	vsel vm5, v3, v4;
	v3 =	vadd.f32 v48, v3  }
0x96: {  	v7 =	vbroadcast v52, $0xF;
	v53, _, _ =	vpop (xrf2);
	v6 =	vadd.f32 v51, v4  }
0x97: {  	(xrf2) =	vadd.scan.msk.f32 $0xffff, v5;
	v8 =	vbroadcast v53, $0xF;
	v3 =	vsel vm6, v4, v3  }
0x98: {  	v54, _, _ =	vpop (xrf2);
	v4 =	vadd.f32 v7, v4;
	v3 =	vsel vm7, v3, v6  }
0x99: {  	v55, _, _ =	vpop (xrf2);
	v5 =	vbroadcast v54, $0xF;
	v56 =	vadd.f32 v8, v3  }
0x9a: {  	v57 =	vbroadcast v55, $0xF;
	v3 =	vsel vm8, v3, v4  }
0x9b: {  	v58, _, _ =	vpop (xrf2);
	v7 =	vsel vm9, v3, v56;
	v3 =	vadd.f32 v5, v3  }
0x9c: {  	v59, _, _ =	vpop (xrf2);
	v6 =	vbroadcast v58, $0xF;
	v4 =	vadd.f32 v57, v7  }
0x9d: {  	v5 =	vbroadcast v59, $0xF;
	v3 =	vsel vm10, v7, v3  }
0x9e: {  	v60, _, _ =	vpop (xrf2);
	v61 =	vadd.f32 v6, v7;
	v3 =	vsel vm11, v3, v4  }
0x9f: {  	v62 =	vbroadcast v60, $0xF;
	v5 =	vadd.f32 v5, v3  }
0xa0: {  	v3 =	vsel vm12, v3, v61  }
0xa1: {  	v63, _, _ =	vpop (xrf2);
	v4 =	vsel vm13, v3, v5;
	v3 =	vadd.f32 v62, v3  }
0xa2: {  	v5 =	vadd.f32 v63, v4  }
0xa3: {  	v3 =	vsel vm14, v4, v3  }
0xa4: {  	v3 =	vsel vm15, v3, v5  }
0xa5: {  	v3 =	vsub.f32 $0.0e+00, v3;
	_ =	sdelay $0x1  }
0xa6: {  	v3 =	vmul.f32 $1.442695020e+00, v3;
	_ =	sdelay $0x1  }
0xa7: {  	(erf) = vpow2.f32 v3;
	_ =	sdelay $0x8  }
0xa8: {  	v3 =	vpop (erf)  }
0xa9: {  	v3 =	vadd.f32 $1.000000000e+00, v3;
	_ =	sdelay $0x1  }
0xaa: {  	(erf) = vrcp.f32 v3;
	_ =	sdelay $0x4  }
0xab: {  	p0 =	sne.s32 s0, $0xF800  }
.Ltmp0:
0xac: {  	_ = 	snop;
	(pc) =	sbr.rel @p0 .LBB2_2-.Ltmp0, $3  }
0xad: {  	_ =	sdelay $0x1  }
0xae: {  	v3 =	vpop (erf)  }
0xaf: {  	s0 =	sadd.s32 $0x800, s0;
	[tilespmem:s31+$0x0] =	vst v3;
	s31 =	sadd.s32 $0x10, s31  }
0xb0: {  	s30 =	sadd.s32 $0x1, s30  }
0xb1: {  	p0 =	sne.s32 s30, s9  }
.Ltmp1:
0xb2: {  	_ = 	snop;
	(pc) =	sbr.rel @p0 .LBB2_1-.Ltmp1, $4  }
0xb3: {  	[hbm4b:s8+s1] =	stream.linear.scatter [tilespmem:s29], [sflag:$0x2], $0x200, $0x38;
	[tilespmem:$0x8630] =	vst v63  }
0xb4: {  	_ =	swait.ge [sflag:s10], $0x200  }
0xb5: {  	[sflag:s10] =	ssyncset.done $0x0  }
0xb6: {  	[sflag:s10] =	ssyncadd.s32 $0xFFFFFE00  }
0xb7: {  	_ =	sfence.sel $0x180000  }
0xb8: {  	[bflag:$0x0] =	sbarrier.arrive $0xFFFF  }
0xb9: {  	_ =	strace $0x90000047  }
0xba: {  	s0 =	stileid.u32;
	[bflag:$0x2] =	sbarrier.arrive $0xFFFF  }
0xbb: {  	p0 =	sne.s32 s0, $0x0;
	s0 =	rddreg [dreg:$0x4]  }
0xbc: {  	s0 =	sadd.s32 @!p0 $0x100000, s0  }
0xbd: {  	[sflag:s0] =	ssyncadd.tile.s32 @!p0 $0x1;
	_ =	shalt  }
.Lfunc_end2:
_tile_overlayer_lowered:
.L_overlay_start_2:
0xbe: {  	(tag) =	ssettag $0x2  }
0xbf: {  	s0 =	rddreg [dreg:$0x0];
	s2 =	stileid.u32  }
0xc0: {  	s1 =	rddreg [dreg:$0x1];
	p0 =	sne.s32 s2, $0x0  }
0xc1: {  	s3 =	rddreg [dreg:$0x2];
	[bflag:$0x3] =	sbarrier.arrive $0xFFFF;
	s2 =	simm.s32 @!p0 $0x1C02  }
0xc2: {  	[timem:s3], [sflag:s2] =	dma.local @!p0 [hbm:s0], s1  }
0xc3: {  	s0 =	simm.s32 @!p0 $0x2  }
0xc4: {  	_ =	swait.ge @!p0 [sflag:s0], s1  }
0xc5: {  	s1 =	ssub.s32 @!p0 $0x0, s1;
	[sflag:s0] =	ssyncset.done @!p0 $0x0  }
0xc6: {  	[sflag:s0] =	ssyncadd.s32 @!p0 s1  }
0xc7: {  	[bflag:$0x3] =	sbarrier.arrive $0xFFFF  }
0xc8: {  	_ =	shalt  }

</sc_bundles>
